<compile_context>
chip_gen: v7x
topology: tpu7x:2x2x1
jax: 0.10.2.dev20260603
libtpu: 0.0.44.dev20260713+nightly
codegen_flags: <defaults>
</compile_context>

<pallas_src>
import jax
import jax.numpy as jnp
from jax import lax
from jax.experimental import pallas as pl
from jax.experimental.pallas import tpu as pltpu
from jax.experimental.pallas import tpu_sc as plsc

N_NODES = 10000
N_EDGES = 320000
D_IN = 128
E_DIM = 16
D_OUT = 128

NUM_CORES = 2
NUM_SUBCORES = 16
NW = NUM_CORES * NUM_SUBCORES
E_PER_W = N_EDGES // NW
CHUNK = 2000
N_CHUNKS = E_PER_W // CHUNK
IB = 80
IB_PER_CHUNK = CHUNK // IB
IB_PER_W = E_PER_W // IB
N_PAD = 10240
ROWS_PER_SUB = N_PAD // NUM_SUBCORES

TBLK_E = 80000
TSEG = TBLK_E // 8
TGRID = N_EDGES // TBLK_E
PSEG = E_PER_W // 8


def _tr_body(in_ref, out_ref):
  x = in_ref[...]
  y = jnp.concatenate([x[:, g * TSEG:(g + 1) * TSEG] for g in range(8)],
                      axis=0)
  out_ref[...] = jnp.transpose(y)


def _tc_transpose(efT):
  return pl.pallas_call(
      _tr_body,
      grid=(TGRID,),
      in_specs=[pl.BlockSpec((E_DIM, TBLK_E), lambda i: (0, i))],
      out_specs=pl.BlockSpec((TSEG, 128), lambda i: (i, 0)),
      out_shape=jax.ShapeDtypeStruct((N_EDGES // 8, 128), jnp.float32),
  )(efT)


def _sc_aggregate(ef2d, dst3d, zeros_in, zeros1_in):
  mesh = plsc.VectorSubcoreMesh(core_axis_name="c", subcore_axis_name="s",
                                num_cores=NUM_CORES,
                                num_subcores=NUM_SUBCORES)

  @pl.kernel(
      out_type=(
          jax.ShapeDtypeStruct((NUM_CORES, N_PAD, E_DIM), jnp.float32),
          jax.ShapeDtypeStruct((NUM_CORES, N_PAD), jnp.float32),
      ),
      mesh=mesh,
      compiler_params=pltpu.CompilerParams(use_tc_tiling_on_sc=False,
                                           needs_layout_passes=False),
      scratch_types=[
          pltpu.VMEM_SHARED((N_PAD, E_DIM), jnp.float32),
          pltpu.VMEM_SHARED((N_PAD,), jnp.float32),
          pltpu.VMEM((CHUNK, E_DIM), jnp.float32),
          pltpu.VMEM((CHUNK, E_DIM), jnp.float32),
          pltpu.VMEM((8, PSEG), jnp.int32),
          pltpu.VMEM((E_PER_W,), jnp.int32),
          pltpu.VMEM((112,), jnp.float32),
          pltpu.VMEM((CHUNK * (E_DIM + 1) // E_DIM, E_DIM),
                     jnp.float32),
          pltpu.SemaphoreType.DMA,
      ],
  )
  def k(ef_hbm, dst_hbm, zeros_hbm, zeros1_hbm, hs_hbm, dg_hbm,
        acc, dacc, rows_a, rows_b, idxsrc_v, idx_v, ones_v, dummy_v, sem):
    c = lax.axis_index("c")
    s = lax.axis_index("s")
    wid = c * NUM_SUBCORES + s
    iblk = wid // 8
    wp = wid % 8
    lane = jax.lax.iota(jnp.int32, 16)

    r0 = s * ROWS_PER_SUB
    pltpu.sync_copy(zeros_hbm, acc.at[pl.ds(r0, ROWS_PER_SUB), :])

    pltpu.sync_copy(zeros1_hbm, dacc.at[pl.ds(r0, ROWS_PER_SUB)])

    for i in range(7):
      ones_v[pl.ds(i * 16, 16)] = jnp.full((16,), 1.0, jnp.float32)

    for g in range(8):
      pltpu.sync_copy(dst_hbm.at[iblk, g, wp], idxsrc_v.at[g])

    row_c = lane % 8
    col_c = lane // 8

    @pl.loop(0, E_PER_W // 16)
    def _(t):
      v = plsc.load_gather(idxsrc_v, [row_c, col_c + 2 * t])
      idx_v[pl.ds(16 * t, 16)] = v

    plsc.subcore_barrier()

    def stage(buf, kk):
      base = wid * E_PER_W + kk * CHUNK
      pltpu.sync_copy(ef_hbm.at[pl.ds(base, CHUNK), :], buf)

    def fire(buf, kk):
      @pl.loop(0, IB_PER_CHUNK)
      def _(j):
        idx = idx_v.at[pl.ds(kk * CHUNK + j * IB, IB)]
        pltpu.async_copy(buf.at[pl.ds(j * IB, IB), :], acc.at[idx], sem,
                         add=True)
        pltpu.async_copy(ones_v.at[pl.ds(0, IB)], dacc.at[idx], sem,
                         add=True)

    def drain():
      pltpu.make_async_copy(ef_hbm.at[pl.ds(0, CHUNK * 17 // 16), :],
                            dummy_v, sem).wait()

    stage(rows_a, 0)
    for kk in range(N_CHUNKS):
      buf = rows_a if kk % 2 == 0 else rows_b
      nxt = rows_b if kk % 2 == 0 else rows_a
      fire(buf, kk)
      if kk + 1 < N_CHUNKS:
        stage(nxt, kk + 1)
      drain()

    plsc.subcore_barrier()

    pltpu.sync_copy(acc.at[pl.ds(r0, ROWS_PER_SUB), :],
                    hs_hbm.at[c, pl.ds(r0, ROWS_PER_SUB), :])
    pltpu.sync_copy(dacc.at[pl.ds(r0, ROWS_PER_SUB)],
                    dg_hbm.at[c, pl.ds(r0, ROWS_PER_SUB)])

  return k(ef2d, dst3d, zeros_in, zeros1_in)


ROW_BLK = 1000


def _nfw_body(nf_ref, wn_ref, b_ref, out_ref):
  out_ref[...] = jnp.dot(nf_ref[...], wn_ref[...],
                         preferred_element_type=jnp.float32) + b_ref[...]


def _tc_nfw(nf2d, wn, bias2d):
  return pl.pallas_call(
      _nfw_body,
      grid=(N_NODES // ROW_BLK,),
      in_specs=[
          pl.BlockSpec((ROW_BLK, D_IN), lambda i: (i, 0)),
          pl.BlockSpec((D_IN, D_OUT), lambda i: (0, 0)),
          pl.BlockSpec((1, D_OUT), lambda i: (0, 0)),
      ],
      out_specs=pl.BlockSpec((ROW_BLK, D_OUT), lambda i: (i, 0)),
      out_shape=jax.ShapeDtypeStruct((N_NODES, D_OUT), jnp.float32),
  )(nf2d, wn, bias2d)


def _mix_body(nfw_ref, hs_ref, dg_ref, we_ref, out_ref):
  hs = hs_ref[0] + hs_ref[1]
  dg = dg_ref[0] + dg_ref[1]
  hn = hs / jnp.maximum(dg, 1.0)
  acc = nfw_ref[...] + jnp.dot(hn, we_ref[...],
                               preferred_element_type=jnp.float32)
  out_ref[...] = jnp.maximum(acc, 0.0)


def _tc_mix(nfw, hsum, deg, we):
  return pl.pallas_call(
      _mix_body,
      grid=(N_NODES // ROW_BLK,),
      in_specs=[
          pl.BlockSpec((ROW_BLK, D_OUT), lambda i: (i, 0)),
          pl.BlockSpec((NUM_CORES, ROW_BLK, E_DIM), lambda i: (0, i, 0)),
          pl.BlockSpec((NUM_CORES, ROW_BLK, 1), lambda i: (0, i, 0)),
          pl.BlockSpec((E_DIM, D_OUT), lambda i: (0, 0)),
      ],
      out_specs=pl.BlockSpec((ROW_BLK, D_OUT), lambda i: (i, 0)),
      out_shape=jax.ShapeDtypeStruct((N_NODES, D_OUT), jnp.float32),
  )(nfw, hsum, deg, we)


def kernel(nfeats, efeats, edge_index, W_apply_w, W_apply_b):
  nf2d = nfeats.reshape(N_NODES, D_IN)
  efT = jnp.transpose(efeats[:, 0, :])
  eflin = _tc_transpose(efT)
  ef2d = eflin.reshape(N_EDGES, E_DIM)
  dst4d = edge_index[1].reshape(TGRID, 8, 8, PSEG)
  zeros_in = jnp.zeros((ROWS_PER_SUB, E_DIM), jnp.float32)
  zeros1_in = jnp.zeros((ROWS_PER_SUB,), jnp.float32)

  hsum, deg = _sc_aggregate(ef2d, dst4d, zeros_in, zeros1_in)
  deg = deg.reshape(NUM_CORES, N_PAD, 1)

  wn = W_apply_w[:, :D_IN].T
  we = W_apply_w[:, D_IN:].T
  bias2d = W_apply_b.reshape(1, D_OUT)
  nfw = _tc_nfw(nf2d, wn, bias2d)
  out2d = _tc_mix(nfw, hsum, deg, we)
  return out2d.reshape(N_NODES, 1, D_OUT)

# --- scband reference (transcript-rebuilt; emitter-appended) ---
"""Pipeline reference for scband-sagelayer-352187318569 (READ-ONLY COPY).

The authoritative reference and input builder live on the scoring server;
editing this copy changes nothing except your own understanding.
"""

import jax, jax.numpy as jnp
import numpy as np

N = 10000
E = 320000
D_IN = 128
E_DIM = 16
D_OUT = 128


def setup_inputs(seed: int = 0) -> dict:
    key = jax.random.key(seed)
    k1, k2, k3, k4 = jax.random.split(key, 4)
    nfeats = jax.random.normal(k1, (N, 1, D_IN), dtype=jnp.float32)
    efeats = jax.random.normal(k2, (E, 1, E_DIM), dtype=jnp.float32)
    edge_index = jax.random.randint(k3, (2, E), 0, N, dtype=jnp.int32)
    # Learned params of SAGELayer.W_apply: Linear(ndim_in + edim, ndim_out)
    W_apply_w = jax.random.normal(k4, (D_OUT, D_IN + E_DIM), dtype=jnp.float32) * 0.05
    W_apply_b = jnp.zeros((D_OUT,), dtype=jnp.float32)
    return {
        "nfeats": nfeats,
        "efeats": efeats,
        "edge_index": edge_index,
        "W_apply_w": W_apply_w,
        "W_apply_b": W_apply_b,
    }


def reference(nfeats, efeats, edge_index, W_apply_w, W_apply_b):
    # DGL update_all(copy edge 'h' -> mean over incoming edges -> 'h_neigh')
    dst = edge_index[1]
    h_sum = jax.ops.segment_sum(efeats, dst, num_segments=N)  # [N, 1, E_DIM]
    deg = jax.ops.segment_sum(jnp.ones((E,), dtype=jnp.float32), dst, num_segments=N)
    h_neigh = h_sum / jnp.maximum(deg, 1.0)[:, None, None]
    # h = activation(W_apply(cat([h, h_neigh], dim=2)))
    h_cat = jnp.concatenate([nfeats, h_neigh], axis=2)  # [N, 1, D_IN + E_DIM]
    out = jax.nn.relu(jnp.einsum('nij,oj->nio', h_cat, W_apply_w) + W_apply_b)
    return out

if __name__ == "__main__":
    import jax
    _d = setup_inputs()
    print(jax.jit(kernel)(*tuple(_d.values())))

</pallas_src>

<mosaic_0001>
#map = affine_map<(d0, d1) -> (0, 0)>
#map1 = affine_map<(d0, d1) -> (0, 0, 0, 0)>
#map2 = affine_map<(d0, d1) -> (0)>
#map3 = affine_map<(d0, d1) -> (0, 0, 0)>
module attributes {stable_mosaic.version = 14 : i64} {
  func.func @k(%arg0: i32, %arg1: i32, %arg2: memref<320000x16xf32, #tpu.memory_space<hbm>>, %arg3: memref<4x8x8x1250xi32, #tpu.memory_space<hbm>>, %arg4: memref<640x16xf32, #tpu.memory_space<hbm>>, %arg5: memref<640xf32, #tpu.memory_space<hbm>>, %arg6: memref<2x10240x16xf32, #tpu.memory_space<hbm>>, %arg7: memref<2x10240xf32, #tpu.memory_space<hbm>>, %arg8: memref<10240x16xf32, #tpu.memory_space<vmem_shared>>, %arg9: memref<10240xf32, #tpu.memory_space<vmem_shared>>, %arg10: memref<2000x16xf32, #tpu.memory_space<vmem>>, %arg11: memref<2000x16xf32, #tpu.memory_space<vmem>>, %arg12: memref<8x1250xi32, #tpu.memory_space<vmem>>, %arg13: memref<10000xi32, #tpu.memory_space<vmem>>, %arg14: memref<112xf32, #tpu.memory_space<vmem>>, %arg15: memref<2125x16xf32, #tpu.memory_space<vmem>>, %arg16: memref<!tpu.dma_semaphore, #tpu.memory_space<semaphore_mem>>) attributes {dimension_semantics = [#tpu.dimension_semantics<core_parallel>, #tpu.dimension_semantics<subcore_parallel>], iteration_bounds = array<i64: 2, 16>, scalar_prefetch = 0 : i64, scratch_operands = 9 : i64, tpu.core_type = #tpu.core_type<sc_vector_subcore>, window_params = [{transform_indices = #map}, {transform_indices = #map1}, {transform_indices = #map}, {transform_indices = #map2}, {transform_indices = #map3}, {transform_indices = #map}]} {
    %mul3A = arith.constant 16 : i32
    %mul3A_0 = arith.muli %arg0, %mul3A : i32
    %add3A = arith.addi %mul3A_0, %arg1 : i32
    %jit3A = arith.constant 8 : i32
    %div3A = arith.divsi %add3A, %jit3A : i32
    %sign3A = arith.constant 0 : i32
    %sign3A_1 = arith.cmpi sgt, %add3A, %sign3A : i32
    %sign3A_2 = arith.extui %sign3A_1 : i1 to i32
    %sign3A_3 = arith.constant 0 : i32
    %sign3A_4 = arith.cmpi slt, %add3A, %sign3A_3 : i32
    %sign3A_5 = arith.extui %sign3A_4 : i1 to i32
    %sign3A_6 = arith.subi %sign3A_2, %sign3A_5 : i32
    %sign3A_7 = arith.constant 0 : i32
    %sign3A_8 = arith.cmpi sgt, %jit3A, %sign3A_7 : i32
    %sign3A_9 = arith.extui %sign3A_8 : i1 to i32
    %sign3A_10 = arith.constant 0 : i32
    %sign3A_11 = arith.cmpi slt, %jit3A, %sign3A_10 : i32
    %sign3A_12 = arith.extui %sign3A_11 : i1 to i32
    %sign3A_13 = arith.subi %sign3A_9, %sign3A_12 : i32
    %ne3A = arith.cmpi ne, %sign3A_6, %sign3A_13 : i32
    %rem3A = arith.remsi %add3A, %jit3A : i32
    %ne3A_14 = arith.constant 0 : i32
    %ne3A_15 = arith.cmpi ne, %rem3A, %ne3A_14 : i32
    %and3A = arith.andi %ne3A, %ne3A_15 : i1
    %sub3A = arith.constant 1 : i32
    %sub3A_16 = arith.subi %div3A, %sub3A : i32
    %select_n3A = arith.select %and3A, %sub3A_16, %div3A : i32
    %jit3A_17 = arith.constant 8 : i32
    %eq3A = arith.constant 0 : i32
    %eq3A_18 = arith.cmpi eq, %jit3A_17, %eq3A : i32
    %jit3A_19 = arith.constant 1 : i32
    %select_n3A_20 = arith.select %eq3A_18, %jit3A_19, %jit3A_17 : i32
    %rem3A_21 = arith.remsi %add3A, %select_n3A_20 : i32
    %ne3A_22 = arith.constant 0 : i32
    %ne3A_23 = arith.cmpi ne, %rem3A_21, %ne3A_22 : i32
    %lt3A = arith.constant 0 : i32
    %lt3A_24 = arith.cmpi slt, %rem3A_21, %lt3A : i32
    %lt3A_25 = arith.constant 0 : i32
    %lt3A_26 = arith.cmpi slt, %select_n3A_20, %lt3A_25 : i32
    %ne3A_27 = arith.xori %lt3A_24, %lt3A_26 : i1
    %and3A_28 = arith.andi %ne3A_27, %ne3A_23 : i1
    %add3A_29 = arith.addi %rem3A_21, %select_n3A_20 : i32
    %select_n3A_30 = arith.select %and3A_28, %add3A_29, %rem3A_21 : i32
    %iota3A = tpu.iota {dimensions = array<i32: 0>} : vector<16xi32>
    %mul3A_31 = arith.constant 640 : i32
    %mul3A_32 = arith.muli %arg1, %mul3A_31 : i32
    "tpu.region"() ({
      %run_scoped3A_206 = tpu.sem_alloc : memref<!tpu.dma_semaphore, #tpu.memory_space<semaphore_mem>>
      %dma_start3A = arith.constant 0 : i32
      %dma_start3A_207 = tpu.memref_slice %arg8[%mul3A_32, %dma_start3A] : memref<10240x16xf32, #tpu.memory_space<vmem_shared>> -> memref<640x16xf32, #tpu.memory_space<vmem_shared>>
      tpu.enqueue_dma source(%arg4 : memref<640x16xf32, #tpu.memory_space<hbm>>) target(%dma_start3A_207 : memref<640x16xf32, #tpu.memory_space<vmem_shared>>) target_semaphore(%run_scoped3A_206 : memref<!tpu.dma_semaphore, #tpu.memory_space<semaphore_mem>>)
      %dma_wait3A_208 = arith.constant 0 : i32
      %dma_wait3A_209 = tpu.memref_slice %arg8[%mul3A_32, %dma_wait3A_208] : memref<10240x16xf32, #tpu.memory_space<vmem_shared>> -> memref<640x16xf32, #tpu.memory_space<vmem_shared>>
      tpu.wait_dma2 semaphore(%run_scoped3A_206 : memref<!tpu.dma_semaphore, #tpu.memory_space<semaphore_mem>>) src(%arg4 : memref<640x16xf32, #tpu.memory_space<hbm>>) dst(%dma_wait3A_209 : memref<640x16xf32, #tpu.memory_space<vmem_shared>>)
      tpu.yield
    }) : () -> ()
    "tpu.region"() ({
      %run_scoped3A_206 = tpu.sem_alloc : memref<!tpu.dma_semaphore, #tpu.memory_space<semaphore_mem>>
      %dma_start3A = tpu.memref_slice %arg9[%mul3A_32] : memref<10240xf32, #tpu.memory_space<vmem_shared>> -> memref<640xf32, #tpu.memory_space<vmem_shared>>
      tpu.enqueue_dma source(%arg5 : memref<640xf32, #tpu.memory_space<hbm>>) target(%dma_start3A : memref<640xf32, #tpu.memory_space<vmem_shared>>) target_semaphore(%run_scoped3A_206 : memref<!tpu.dma_semaphore, #tpu.memory_space<semaphore_mem>>)
      %dma_wait3A_207 = tpu.memref_slice %arg9[%mul3A_32] : memref<10240xf32, #tpu.memory_space<vmem_shared>> -> memref<640xf32, #tpu.memory_space<vmem_shared>>
      tpu.wait_dma2 semaphore(%run_scoped3A_206 : memref<!tpu.dma_semaphore, #tpu.memory_space<semaphore_mem>>) src(%arg5 : memref<640xf32, #tpu.memory_space<hbm>>) dst(%dma_wait3A_207 : memref<640xf32, #tpu.memory_space<vmem_shared>>)
      tpu.yield
    }) : () -> ()
    %broadcast_in_dim3A = arith.constant 1.000000e+00 : f32
    %broadcast_in_dim3A_33 = vector.broadcast %broadcast_in_dim3A : f32 to vector<16xf32>
    %swap3A = arith.constant 0 : index
    %swap3A_34 = tpu.vector_load %arg14[%swap3A] {strides = array<i32>} : memref<112xf32, #tpu.memory_space<vmem>>, vector<16xf32>,
    tpu.vector_store %arg14[%swap3A], %broadcast_in_dim3A_33 {strides = array<i32>} : memref<112xf32, #tpu.memory_space<vmem>>, vector<16xf32>,
    %broadcast_in_dim3A_35 = arith.constant 1.000000e+00 : f32
    %broadcast_in_dim3A_36 = vector.broadcast %broadcast_in_dim3A_35 : f32 to vector<16xf32>
    %swap3A_37 = arith.constant 16 : index
    %swap3A_38 = tpu.vector_load %arg14[%swap3A_37] {strides = array<i32>} : memref<112xf32, #tpu.memory_space<vmem>>, vector<16xf32>,
    tpu.vector_store %arg14[%swap3A_37], %broadcast_in_dim3A_36 {strides = array<i32>} : memref<112xf32, #tpu.memory_space<vmem>>, vector<16xf32>,
    %broadcast_in_dim3A_39 = arith.constant 1.000000e+00 : f32
    %broadcast_in_dim3A_40 = vector.broadcast %broadcast_in_dim3A_39 : f32 to vector<16xf32>
    %swap3A_41 = arith.constant 32 : index
    %swap3A_42 = tpu.vector_load %arg14[%swap3A_41] {strides = array<i32>} : memref<112xf32, #tpu.memory_space<vmem>>, vector<16xf32>,
    tpu.vector_store %arg14[%swap3A_41], %broadcast_in_dim3A_40 {strides = array<i32>} : memref<112xf32, #tpu.memory_space<vmem>>, vector<16xf32>,
    %broadcast_in_dim3A_43 = arith.constant 1.000000e+00 : f32
    %broadcast_in_dim3A_44 = vector.broadcast %broadcast_in_dim3A_43 : f32 to vector<16xf32>
    %swap3A_45 = arith.constant 48 : index
    %swap3A_46 = tpu.vector_load %arg14[%swap3A_45] {strides = array<i32>} : memref<112xf32, #tpu.memory_space<vmem>>, vector<16xf32>,
    tpu.vector_store %arg14[%swap3A_45], %broadcast_in_dim3A_44 {strides = array<i32>} : memref<112xf32, #tpu.memory_space<vmem>>, vector<16xf32>,
    %broadcast_in_dim3A_47 = arith.constant 1.000000e+00 : f32
    %broadcast_in_dim3A_48 = vector.broadcast %broadcast_in_dim3A_47 : f32 to vector<16xf32>
    %swap3A_49 = arith.constant 64 : index
    %swap3A_50 = tpu.vector_load %arg14[%swap3A_49] {strides = array<i32>} : memref<112xf32, #tpu.memory_space<vmem>>, vector<16xf32>,
    tpu.vector_store %arg14[%swap3A_49], %broadcast_in_dim3A_48 {strides = array<i32>} : memref<112xf32, #tpu.memory_space<vmem>>, vector<16xf32>,
    %broadcast_in_dim3A_51 = arith.constant 1.000000e+00 : f32
    %broadcast_in_dim3A_52 = vector.broadcast %broadcast_in_dim3A_51 : f32 to vector<16xf32>
    %swap3A_53 = arith.constant 80 : index
    %swap3A_54 = tpu.vector_load %arg14[%swap3A_53] {strides = array<i32>} : memref<112xf32, #tpu.memory_space<vmem>>, vector<16xf32>,
    tpu.vector_store %arg14[%swap3A_53], %broadcast_in_dim3A_52 {strides = array<i32>} : memref<112xf32, #tpu.memory_space<vmem>>, vector<16xf32>,
    %broadcast_in_dim3A_55 = arith.constant 1.000000e+00 : f32
    %broadcast_in_dim3A_56 = vector.broadcast %broadcast_in_dim3A_55 : f32 to vector<16xf32>
    %swap3A_57 = arith.constant 96 : index
    %swap3A_58 = tpu.vector_load %arg14[%swap3A_57] {strides = array<i32>} : memref<112xf32, #tpu.memory_space<vmem>>, vector<16xf32>,
    tpu.vector_store %arg14[%swap3A_57], %broadcast_in_dim3A_56 {strides = array<i32>} : memref<112xf32, #tpu.memory_space<vmem>>, vector<16xf32>,
    %run_scoped3A = arith.constant 0 : i32
    %run_scoped3A_59 = arith.constant 0 : i32
    "tpu.region"() ({
      %run_scoped3A_206 = tpu.sem_alloc : memref<!tpu.dma_semaphore, #tpu.memory_space<semaphore_mem>>
      %dma_start3A = arith.constant 0 : i32
      %dma_start3A_207 = tpu.memref_slice %arg12[%run_scoped3A_59, %dma_start3A] : memref<8x1250xi32, #tpu.memory_space<vmem>> -> memref<1x1250xi32, #tpu.memory_space<vmem>>
      %dma_start3A_208 = tpu.memref_squeeze %dma_start3A_207 : memref<1x1250xi32, #tpu.memory_space<vmem>> -> memref<1250xi32, #tpu.memory_space<vmem>>
      %dma_start3A_209 = arith.constant 0 : i32
      %dma_start3A_210 = tpu.memref_slice %arg3[%select_n3A, %run_scoped3A, %select_n3A_30, %dma_start3A_209] : memref<4x8x8x1250xi32, #tpu.memory_space<hbm>> -> memref<1x1x1x1250xi32, #tpu.memory_space<hbm>>
      %dma_start3A_211 = tpu.memref_squeeze %dma_start3A_210 : memref<1x1x1x1250xi32, #tpu.memory_space<hbm>> -> memref<1250xi32, #tpu.memory_space<hbm>>
      %dma_start3A_212 = arith.constant 0 : i32
      %dma_start3A_213 = tpu.memref_slice %arg12[%run_scoped3A_59, %dma_start3A_212] : memref<8x1250xi32, #tpu.memory_space<vmem>> -> memref<1x1250xi32, #tpu.memory_space<vmem>>
      %dma_start3A_214 = tpu.memref_squeeze %dma_start3A_213 : memref<1x1250xi32, #tpu.memory_space<vmem>> -> memref<1250xi32, #tpu.memory_space<vmem>>
      %dma_start3A_215 = arith.constant 0 : i32
      %dma_start3A_216 = tpu.memref_slice %arg3[%select_n3A, %run_scoped3A, %select_n3A_30, %dma_start3A_215] : memref<4x8x8x1250xi32, #tpu.memory_space<hbm>> -> memref<1x1x1x1250xi32, #tpu.memory_space<hbm>>
      %dma_start3A_217 = tpu.memref_squeeze %dma_start3A_216 : memref<1x1x1x1250xi32, #tpu.memory_space<hbm>> -> memref<1250xi32, #tpu.memory_space<hbm>>
      tpu.enqueue_dma source(%dma_start3A_217 : memref<1250xi32, #tpu.memory_space<hbm>>) target(%dma_start3A_214 : memref<1250xi32, #tpu.memory_space<vmem>>) target_semaphore(%run_scoped3A_206 : memref<!tpu.dma_semaphore, #tpu.memory_space<semaphore_mem>>)
      %dma_wait3A_218 = arith.constant 0 : i32
      %dma_wait3A_219 = tpu.memref_slice %arg12[%run_scoped3A_59, %dma_wait3A_218] : memref<8x1250xi32, #tpu.memory_space<vmem>> -> memref<1x1250xi32, #tpu.memory_space<vmem>>
      %dma_wait3A_220 = tpu.memref_squeeze %dma_wait3A_219 : memref<1x1250xi32, #tpu.memory_space<vmem>> -> memref<1250xi32, #tpu.memory_space<vmem>>
      %dma_wait3A_221 = arith.constant 0 : i32
      %dma_wait3A_222 = tpu.memref_slice %arg3[%select_n3A, %run_scoped3A, %select_n3A_30, %dma_wait3A_221] : memref<4x8x8x1250xi32, #tpu.memory_space<hbm>> -> memref<1x1x1x1250xi32, #tpu.memory_space<hbm>>
      %dma_wait3A_223 = tpu.memref_squeeze %dma_wait3A_222 : memref<1x1x1x1250xi32, #tpu.memory_space<hbm>> -> memref<1250xi32, #tpu.memory_space<hbm>>
      %dma_wait3A_224 = arith.constant 0 : i32
      %dma_wait3A_225 = tpu.memref_slice %arg12[%run_scoped3A_59, %dma_wait3A_224] : memref<8x1250xi32, #tpu.memory_space<vmem>> -> memref<1x1250xi32, #tpu.memory_space<vmem>>
      %dma_wait3A_226 = tpu.memref_squeeze %dma_wait3A_225 : memref<1x1250xi32, #tpu.memory_space<vmem>> -> memref<1250xi32, #tpu.memory_space<vmem>>
      %dma_wait3A_227 = arith.constant 0 : i32
      %dma_wait3A_228 = tpu.memref_slice %arg3[%select_n3A, %run_scoped3A, %select_n3A_30, %dma_wait3A_227] : memref<4x8x8x1250xi32, #tpu.memory_space<hbm>> -> memref<1x1x1x1250xi32, #tpu.memory_space<hbm>>
      %dma_wait3A_229 = tpu.memref_squeeze %dma_wait3A_228 : memref<1x1x1x1250xi32, #tpu.memory_space<hbm>> -> memref<1250xi32, #tpu.memory_space<hbm>>
      tpu.wait_dma2 semaphore(%run_scoped3A_206 : memref<!tpu.dma_semaphore, #tpu.memory_space<semaphore_mem>>) src(%dma_wait3A_229 : memref<1250xi32, #tpu.memory_space<hbm>>) dst(%dma_wait3A_226 : memref<1250xi32, #tpu.memory_space<vmem>>)
      tpu.yield
    }) : () -> ()
    %run_scoped3A_60 = arith.constant 1 : i32
    %run_scoped3A_61 = arith.constant 1 : i32
    "tpu.region"() ({
      %run_scoped3A_206 = tpu.sem_alloc : memref<!tpu.dma_semaphore, #tpu.memory_space<semaphore_mem>>
      %dma_start3A = arith.constant 0 : i32
      %dma_start3A_207 = tpu.memref_slice %arg12[%run_scoped3A_61, %dma_start3A] : memref<8x1250xi32, #tpu.memory_space<vmem>> -> memref<1x1250xi32, #tpu.memory_space<vmem>>
      %dma_start3A_208 = tpu.memref_squeeze %dma_start3A_207 : memref<1x1250xi32, #tpu.memory_space<vmem>> -> memref<1250xi32, #tpu.memory_space<vmem>>
      %dma_start3A_209 = arith.constant 0 : i32
      %dma_start3A_210 = tpu.memref_slice %arg3[%select_n3A, %run_scoped3A_60, %select_n3A_30, %dma_start3A_209] : memref<4x8x8x1250xi32, #tpu.memory_space<hbm>> -> memref<1x1x1x1250xi32, #tpu.memory_space<hbm>>
      %dma_start3A_211 = tpu.memref_squeeze %dma_start3A_210 : memref<1x1x1x1250xi32, #tpu.memory_space<hbm>> -> memref<1250xi32, #tpu.memory_space<hbm>>
      %dma_start3A_212 = arith.constant 0 : i32
      %dma_start3A_213 = tpu.memref_slice %arg12[%run_scoped3A_61, %dma_start3A_212] : memref<8x1250xi32, #tpu.memory_space<vmem>> -> memref<1x1250xi32, #tpu.memory_space<vmem>>
      %dma_start3A_214 = tpu.memref_squeeze %dma_start3A_213 : memref<1x1250xi32, #tpu.memory_space<vmem>> -> memref<1250xi32, #tpu.memory_space<vmem>>
      %dma_start3A_215 = arith.constant 0 : i32
      %dma_start3A_216 = tpu.memref_slice %arg3[%select_n3A, %run_scoped3A_60, %select_n3A_30, %dma_start3A_215] : memref<4x8x8x1250xi32, #tpu.memory_space<hbm>> -> memref<1x1x1x1250xi32, #tpu.memory_space<hbm>>
      %dma_start3A_217 = tpu.memref_squeeze %dma_start3A_216 : memref<1x1x1x1250xi32, #tpu.memory_space<hbm>> -> memref<1250xi32, #tpu.memory_space<hbm>>
      tpu.enqueue_dma source(%dma_start3A_217 : memref<1250xi32, #tpu.memory_space<hbm>>) target(%dma_start3A_214 : memref<1250xi32, #tpu.memory_space<vmem>>) target_semaphore(%run_scoped3A_206 : memref<!tpu.dma_semaphore, #tpu.memory_space<semaphore_mem>>)
      %dma_wait3A_218 = arith.constant 0 : i32
      %dma_wait3A_219 = tpu.memref_slice %arg12[%run_scoped3A_61, %dma_wait3A_218] : memref<8x1250xi32, #tpu.memory_space<vmem>> -> memref<1x1250xi32, #tpu.memory_space<vmem>>
      %dma_wait3A_220 = tpu.memref_squeeze %dma_wait3A_219 : memref<1x1250xi32, #tpu.memory_space<vmem>> -> memref<1250xi32, #tpu.memory_space<vmem>>
      %dma_wait3A_221 = arith.constant 0 : i32
      %dma_wait3A_222 = tpu.memref_slice %arg3[%select_n3A, %run_scoped3A_60, %select_n3A_30, %dma_wait3A_221] : memref<4x8x8x1250xi32, #tpu.memory_space<hbm>> -> memref<1x1x1x1250xi32, #tpu.memory_space<hbm>>
      %dma_wait3A_223 = tpu.memref_squeeze %dma_wait3A_222 : memref<1x1x1x1250xi32, #tpu.memory_space<hbm>> -> memref<1250xi32, #tpu.memory_space<hbm>>
      %dma_wait3A_224 = arith.constant 0 : i32
      %dma_wait3A_225 = tpu.memref_slice %arg12[%run_scoped3A_61, %dma_wait3A_224] : memref<8x1250xi32, #tpu.memory_space<vmem>> -> memref<1x1250xi32, #tpu.memory_space<vmem>>
      %dma_wait3A_226 = tpu.memref_squeeze %dma_wait3A_225 : memref<1x1250xi32, #tpu.memory_space<vmem>> -> memref<1250xi32, #tpu.memory_space<vmem>>
      %dma_wait3A_227 = arith.constant 0 : i32
      %dma_wait3A_228 = tpu.memref_slice %arg3[%select_n3A, %run_scoped3A_60, %select_n3A_30, %dma_wait3A_227] : memref<4x8x8x1250xi32, #tpu.memory_space<hbm>> -> memref<1x1x1x1250xi32, #tpu.memory_space<hbm>>
      %dma_wait3A_229 = tpu.memref_squeeze %dma_wait3A_228 : memref<1x1x1x1250xi32, #tpu.memory_space<hbm>> -> memref<1250xi32, #tpu.memory_space<hbm>>
      tpu.wait_dma2 semaphore(%run_scoped3A_206 : memref<!tpu.dma_semaphore, #tpu.memory_space<semaphore_mem>>) src(%dma_wait3A_229 : memref<1250xi32, #tpu.memory_space<hbm>>) dst(%dma_wait3A_226 : memref<1250xi32, #tpu.memory_space<vmem>>)
      tpu.yield
    }) : () -> ()
    %run_scoped3A_62 = arith.constant 2 : i32
    %run_scoped3A_63 = arith.constant 2 : i32
    "tpu.region"() ({
      %run_scoped3A_206 = tpu.sem_alloc : memref<!tpu.dma_semaphore, #tpu.memory_space<semaphore_mem>>
      %dma_start3A = arith.constant 0 : i32
      %dma_start3A_207 = tpu.memref_slice %arg12[%run_scoped3A_63, %dma_start3A] : memref<8x1250xi32, #tpu.memory_space<vmem>> -> memref<1x1250xi32, #tpu.memory_space<vmem>>
      %dma_start3A_208 = tpu.memref_squeeze %dma_start3A_207 : memref<1x1250xi32, #tpu.memory_space<vmem>> -> memref<1250xi32, #tpu.memory_space<vmem>>
      %dma_start3A_209 = arith.constant 0 : i32
      %dma_start3A_210 = tpu.memref_slice %arg3[%select_n3A, %run_scoped3A_62, %select_n3A_30, %dma_start3A_209] : memref<4x8x8x1250xi32, #tpu.memory_space<hbm>> -> memref<1x1x1x1250xi32, #tpu.memory_space<hbm>>
      %dma_start3A_211 = tpu.memref_squeeze %dma_start3A_210 : memref<1x1x1x1250xi32, #tpu.memory_space<hbm>> -> memref<1250xi32, #tpu.memory_space<hbm>>
      %dma_start3A_212 = arith.constant 0 : i32
      %dma_start3A_213 = tpu.memref_slice %arg12[%run_scoped3A_63, %dma_start3A_212] : memref<8x1250xi32, #tpu.memory_space<vmem>> -> memref<1x1250xi32, #tpu.memory_space<vmem>>
      %dma_start3A_214 = tpu.memref_squeeze %dma_start3A_213 : memref<1x1250xi32, #tpu.memory_space<vmem>> -> memref<1250xi32, #tpu.memory_space<vmem>>
      %dma_start3A_215 = arith.constant 0 : i32
      %dma_start3A_216 = tpu.memref_slice %arg3[%select_n3A, %run_scoped3A_62, %select_n3A_30, %dma_start3A_215] : memref<4x8x8x1250xi32, #tpu.memory_space<hbm>> -> memref<1x1x1x1250xi32, #tpu.memory_space<hbm>>
      %dma_start3A_217 = tpu.memref_squeeze %dma_start3A_216 : memref<1x1x1x1250xi32, #tpu.memory_space<hbm>> -> memref<1250xi32, #tpu.memory_space<hbm>>
      tpu.enqueue_dma source(%dma_start3A_217 : memref<1250xi32, #tpu.memory_space<hbm>>) target(%dma_start3A_214 : memref<1250xi32, #tpu.memory_space<vmem>>) target_semaphore(%run_scoped3A_206 : memref<!tpu.dma_semaphore, #tpu.memory_space<semaphore_mem>>)
      %dma_wait3A_218 = arith.constant 0 : i32
      %dma_wait3A_219 = tpu.memref_slice %arg12[%run_scoped3A_63, %dma_wait3A_218] : memref<8x1250xi32, #tpu.memory_space<vmem>> -> memref<1x1250xi32, #tpu.memory_space<vmem>>
      %dma_wait3A_220 = tpu.memref_squeeze %dma_wait3A_219 : memref<1x1250xi32, #tpu.memory_space<vmem>> -> memref<1250xi32, #tpu.memory_space<vmem>>
      %dma_wait3A_221 = arith.constant 0 : i32
      %dma_wait3A_222 = tpu.memref_slice %arg3[%select_n3A, %run_scoped3A_62, %select_n3A_30, %dma_wait3A_221] : memref<4x8x8x1250xi32, #tpu.memory_space<hbm>> -> memref<1x1x1x1250xi32, #tpu.memory_space<hbm>>
      %dma_wait3A_223 = tpu.memref_squeeze %dma_wait3A_222 : memref<1x1x1x1250xi32, #tpu.memory_space<hbm>> -> memref<1250xi32, #tpu.memory_space<hbm>>
      %dma_wait3A_224 = arith.constant 0 : i32
      %dma_wait3A_225 = tpu.memref_slice %arg12[%run_scoped3A_63, %dma_wait3A_224] : memref<8x1250xi32, #tpu.memory_space<vmem>> -> memref<1x1250xi32, #tpu.memory_space<vmem>>
      %dma_wait3A_226 = tpu.memref_squeeze %dma_wait3A_225 : memref<1x1250xi32, #tpu.memory_space<vmem>> -> memref<1250xi32, #tpu.memory_space<vmem>>
      %dma_wait3A_227 = arith.constant 0 : i32
      %dma_wait3A_228 = tpu.memref_slice %arg3[%select_n3A, %run_scoped3A_62, %select_n3A_30, %dma_wait3A_227] : memref<4x8x8x1250xi32, #tpu.memory_space<hbm>> -> memref<1x1x1x1250xi32, #tpu.memory_space<hbm>>
      %dma_wait3A_229 = tpu.memref_squeeze %dma_wait3A_228 : memref<1x1x1x1250xi32, #tpu.memory_space<hbm>> -> memref<1250xi32, #tpu.memory_space<hbm>>
      tpu.wait_dma2 semaphore(%run_scoped3A_206 : memref<!tpu.dma_semaphore, #tpu.memory_space<semaphore_mem>>) src(%dma_wait3A_229 : memref<1250xi32, #tpu.memory_space<hbm>>) dst(%dma_wait3A_226 : memref<1250xi32, #tpu.memory_space<vmem>>)
      tpu.yield
    }) : () -> ()
    %run_scoped3A_64 = arith.constant 3 : i32
    %run_scoped3A_65 = arith.constant 3 : i32
    "tpu.region"() ({
      %run_scoped3A_206 = tpu.sem_alloc : memref<!tpu.dma_semaphore, #tpu.memory_space<semaphore_mem>>
      %dma_start3A = arith.constant 0 : i32
      %dma_start3A_207 = tpu.memref_slice %arg12[%run_scoped3A_65, %dma_start3A] : memref<8x1250xi32, #tpu.memory_space<vmem>> -> memref<1x1250xi32, #tpu.memory_space<vmem>>
      %dma_start3A_208 = tpu.memref_squeeze %dma_start3A_207 : memref<1x1250xi32, #tpu.memory_space<vmem>> -> memref<1250xi32, #tpu.memory_space<vmem>>
      %dma_start3A_209 = arith.constant 0 : i32
      %dma_start3A_210 = tpu.memref_slice %arg3[%select_n3A, %run_scoped3A_64, %select_n3A_30, %dma_start3A_209] : memref<4x8x8x1250xi32, #tpu.memory_space<hbm>> -> memref<1x1x1x1250xi32, #tpu.memory_space<hbm>>
      %dma_start3A_211 = tpu.memref_squeeze %dma_start3A_210 : memref<1x1x1x1250xi32, #tpu.memory_space<hbm>> -> memref<1250xi32, #tpu.memory_space<hbm>>
      %dma_start3A_212 = arith.constant 0 : i32
      %dma_start3A_213 = tpu.memref_slice %arg12[%run_scoped3A_65, %dma_start3A_212] : memref<8x1250xi32, #tpu.memory_space<vmem>> -> memref<1x1250xi32, #tpu.memory_space<vmem>>
      %dma_start3A_214 = tpu.memref_squeeze %dma_start3A_213 : memref<1x1250xi32, #tpu.memory_space<vmem>> -> memref<1250xi32, #tpu.memory_space<vmem>>
      %dma_start3A_215 = arith.constant 0 : i32
      %dma_start3A_216 = tpu.memref_slice %arg3[%select_n3A, %run_scoped3A_64, %select_n3A_30, %dma_start3A_215] : memref<4x8x8x1250xi32, #tpu.memory_space<hbm>> -> memref<1x1x1x1250xi32, #tpu.memory_space<hbm>>
      %dma_start3A_217 = tpu.memref_squeeze %dma_start3A_216 : memref<1x1x1x1250xi32, #tpu.memory_space<hbm>> -> memref<1250xi32, #tpu.memory_space<hbm>>
      tpu.enqueue_dma source(%dma_start3A_217 : memref<1250xi32, #tpu.memory_space<hbm>>) target(%dma_start3A_214 : memref<1250xi32, #tpu.memory_space<vmem>>) target_semaphore(%run_scoped3A_206 : memref<!tpu.dma_semaphore, #tpu.memory_space<semaphore_mem>>)
      %dma_wait3A_218 = arith.constant 0 : i32
      %dma_wait3A_219 = tpu.memref_slice %arg12[%run_scoped3A_65, %dma_wait3A_218] : memref<8x1250xi32, #tpu.memory_space<vmem>> -> memref<1x1250xi32, #tpu.memory_space<vmem>>
      %dma_wait3A_220 = tpu.memref_squeeze %dma_wait3A_219 : memref<1x1250xi32, #tpu.memory_space<vmem>> -> memref<1250xi32, #tpu.memory_space<vmem>>
      %dma_wait3A_221 = arith.constant 0 : i32
      %dma_wait3A_222 = tpu.memref_slice %arg3[%select_n3A, %run_scoped3A_64, %select_n3A_30, %dma_wait3A_221] : memref<4x8x8x1250xi32, #tpu.memory_space<hbm>> -> memref<1x1x1x1250xi32, #tpu.memory_space<hbm>>
      %dma_wait3A_223 = tpu.memref_squeeze %dma_wait3A_222 : memref<1x1x1x1250xi32, #tpu.memory_space<hbm>> -> memref<1250xi32, #tpu.memory_space<hbm>>
      %dma_wait3A_224 = arith.constant 0 : i32
      %dma_wait3A_225 = tpu.memref_slice %arg12[%run_scoped3A_65, %dma_wait3A_224] : memref<8x1250xi32, #tpu.memory_space<vmem>> -> memref<1x1250xi32, #tpu.memory_space<vmem>>
      %dma_wait3A_226 = tpu.memref_squeeze %dma_wait3A_225 : memref<1x1250xi32, #tpu.memory_space<vmem>> -> memref<1250xi32, #tpu.memory_space<vmem>>
      %dma_wait3A_227 = arith.constant 0 : i32
      %dma_wait3A_228 = tpu.memref_slice %arg3[%select_n3A, %run_scoped3A_64, %select_n3A_30, %dma_wait3A_227] : memref<4x8x8x1250xi32, #tpu.memory_space<hbm>> -> memref<1x1x1x1250xi32, #tpu.memory_space<hbm>>
      %dma_wait3A_229 = tpu.memref_squeeze %dma_wait3A_228 : memref<1x1x1x1250xi32, #tpu.memory_space<hbm>> -> memref<1250xi32, #tpu.memory_space<hbm>>
      tpu.wait_dma2 semaphore(%run_scoped3A_206 : memref<!tpu.dma_semaphore, #tpu.memory_space<semaphore_mem>>) src(%dma_wait3A_229 : memref<1250xi32, #tpu.memory_space<hbm>>) dst(%dma_wait3A_226 : memref<1250xi32, #tpu.memory_space<vmem>>)
      tpu.yield
    }) : () -> ()
    %run_scoped3A_66 = arith.constant 4 : i32
    %run_scoped3A_67 = arith.constant 4 : i32
    "tpu.region"() ({
      %run_scoped3A_206 = tpu.sem_alloc : memref<!tpu.dma_semaphore, #tpu.memory_space<semaphore_mem>>
      %dma_start3A = arith.constant 0 : i32
      %dma_start3A_207 = tpu.memref_slice %arg12[%run_scoped3A_67, %dma_start3A] : memref<8x1250xi32, #tpu.memory_space<vmem>> -> memref<1x1250xi32, #tpu.memory_space<vmem>>
      %dma_start3A_208 = tpu.memref_squeeze %dma_start3A_207 : memref<1x1250xi32, #tpu.memory_space<vmem>> -> memref<1250xi32, #tpu.memory_space<vmem>>
      %dma_start3A_209 = arith.constant 0 : i32
      %dma_start3A_210 = tpu.memref_slice %arg3[%select_n3A, %run_scoped3A_66, %select_n3A_30, %dma_start3A_209] : memref<4x8x8x1250xi32, #tpu.memory_space<hbm>> -> memref<1x1x1x1250xi32, #tpu.memory_space<hbm>>
      %dma_start3A_211 = tpu.memref_squeeze %dma_start3A_210 : memref<1x1x1x1250xi32, #tpu.memory_space<hbm>> -> memref<1250xi32, #tpu.memory_space<hbm>>
      %dma_start3A_212 = arith.constant 0 : i32
      %dma_start3A_213 = tpu.memref_slice %arg12[%run_scoped3A_67, %dma_start3A_212] : memref<8x1250xi32, #tpu.memory_space<vmem>> -> memref<1x1250xi32, #tpu.memory_space<vmem>>
      %dma_start3A_214 = tpu.memref_squeeze %dma_start3A_213 : memref<1x1250xi32, #tpu.memory_space<vmem>> -> memref<1250xi32, #tpu.memory_space<vmem>>
      %dma_start3A_215 = arith.constant 0 : i32
      %dma_start3A_216 = tpu.memref_slice %arg3[%select_n3A, %run_scoped3A_66, %select_n3A_30, %dma_start3A_215] : memref<4x8x8x1250xi32, #tpu.memory_space<hbm>> -> memref<1x1x1x1250xi32, #tpu.memory_space<hbm>>
      %dma_start3A_217 = tpu.memref_squeeze %dma_start3A_216 : memref<1x1x1x1250xi32, #tpu.memory_space<hbm>> -> memref<1250xi32, #tpu.memory_space<hbm>>
      tpu.enqueue_dma source(%dma_start3A_217 : memref<1250xi32, #tpu.memory_space<hbm>>) target(%dma_start3A_214 : memref<1250xi32, #tpu.memory_space<vmem>>) target_semaphore(%run_scoped3A_206 : memref<!tpu.dma_semaphore, #tpu.memory_space<semaphore_mem>>)
      %dma_wait3A_218 = arith.constant 0 : i32
      %dma_wait3A_219 = tpu.memref_slice %arg12[%run_scoped3A_67, %dma_wait3A_218] : memref<8x1250xi32, #tpu.memory_space<vmem>> -> memref<1x1250xi32, #tpu.memory_space<vmem>>
      %dma_wait3A_220 = tpu.memref_squeeze %dma_wait3A_219 : memref<1x1250xi32, #tpu.memory_space<vmem>> -> memref<1250xi32, #tpu.memory_space<vmem>>
      %dma_wait3A_221 = arith.constant 0 : i32
      %dma_wait3A_222 = tpu.memref_slice %arg3[%select_n3A, %run_scoped3A_66, %select_n3A_30, %dma_wait3A_221] : memref<4x8x8x1250xi32, #tpu.memory_space<hbm>> -> memref<1x1x1x1250xi32, #tpu.memory_space<hbm>>
      %dma_wait3A_223 = tpu.memref_squeeze %dma_wait3A_222 : memref<1x1x1x1250xi32, #tpu.memory_space<hbm>> -> memref<1250xi32, #tpu.memory_space<hbm>>
      %dma_wait3A_224 = arith.constant 0 : i32
      %dma_wait3A_225 = tpu.memref_slice %arg12[%run_scoped3A_67, %dma_wait3A_224] : memref<8x1250xi32, #tpu.memory_space<vmem>> -> memref<1x1250xi32, #tpu.memory_space<vmem>>
      %dma_wait3A_226 = tpu.memref_squeeze %dma_wait3A_225 : memref<1x1250xi32, #tpu.memory_space<vmem>> -> memref<1250xi32, #tpu.memory_space<vmem>>
      %dma_wait3A_227 = arith.constant 0 : i32
      %dma_wait3A_228 = tpu.memref_slice %arg3[%select_n3A, %run_scoped3A_66, %select_n3A_30, %dma_wait3A_227] : memref<4x8x8x1250xi32, #tpu.memory_space<hbm>> -> memref<1x1x1x1250xi32, #tpu.memory_space<hbm>>
      %dma_wait3A_229 = tpu.memref_squeeze %dma_wait3A_228 : memref<1x1x1x1250xi32, #tpu.memory_space<hbm>> -> memref<1250xi32, #tpu.memory_space<hbm>>
      tpu.wait_dma2 semaphore(%run_scoped3A_206 : memref<!tpu.dma_semaphore, #tpu.memory_space<semaphore_mem>>) src(%dma_wait3A_229 : memref<1250xi32, #tpu.memory_space<hbm>>) dst(%dma_wait3A_226 : memref<1250xi32, #tpu.memory_space<vmem>>)
      tpu.yield
    }) : () -> ()
    %run_scoped3A_68 = arith.constant 5 : i32
    %run_scoped3A_69 = arith.constant 5 : i32
    "tpu.region"() ({
      %run_scoped3A_206 = tpu.sem_alloc : memref<!tpu.dma_semaphore, #tpu.memory_space<semaphore_mem>>
      %dma_start3A = arith.constant 0 : i32
      %dma_start3A_207 = tpu.memref_slice %arg12[%run_scoped3A_69, %dma_start3A] : memref<8x1250xi32, #tpu.memory_space<vmem>> -> memref<1x1250xi32, #tpu.memory_space<vmem>>
      %dma_start3A_208 = tpu.memref_squeeze %dma_start3A_207 : memref<1x1250xi32, #tpu.memory_space<vmem>> -> memref<1250xi32, #tpu.memory_space<vmem>>
      %dma_start3A_209 = arith.constant 0 : i32
      %dma_start3A_210 = tpu.memref_slice %arg3[%select_n3A, %run_scoped3A_68, %select_n3A_30, %dma_start3A_209] : memref<4x8x8x1250xi32, #tpu.memory_space<hbm>> -> memref<1x1x1x1250xi32, #tpu.memory_space<hbm>>
      %dma_start3A_211 = tpu.memref_squeeze %dma_start3A_210 : memref<1x1x1x1250xi32, #tpu.memory_space<hbm>> -> memref<1250xi32, #tpu.memory_space<hbm>>
      %dma_start3A_212 = arith.constant 0 : i32
      %dma_start3A_213 = tpu.memref_slice %arg12[%run_scoped3A_69, %dma_start3A_212] : memref<8x1250xi32, #tpu.memory_space<vmem>> -> memref<1x1250xi32, #tpu.memory_space<vmem>>
      %dma_start3A_214 = tpu.memref_squeeze %dma_start3A_213 : memref<1x1250xi32, #tpu.memory_space<vmem>> -> memref<1250xi32, #tpu.memory_space<vmem>>
      %dma_start3A_215 = arith.constant 0 : i32
      %dma_start3A_216 = tpu.memref_slice %arg3[%select_n3A, %run_scoped3A_68, %select_n3A_30, %dma_start3A_215] : memref<4x8x8x1250xi32, #tpu.memory_space<hbm>> -> memref<1x1x1x1250xi32, #tpu.memory_space<hbm>>
      %dma_start3A_217 = tpu.memref_squeeze %dma_start3A_216 : memref<1x1x1x1250xi32, #tpu.memory_space<hbm>> -> memref<1250xi32, #tpu.memory_space<hbm>>
      tpu.enqueue_dma source(%dma_start3A_217 : memref<1250xi32, #tpu.memory_space<hbm>>) target(%dma_start3A_214 : memref<1250xi32, #tpu.memory_space<vmem>>) target_semaphore(%run_scoped3A_206 : memref<!tpu.dma_semaphore, #tpu.memory_space<semaphore_mem>>)
      %dma_wait3A_218 = arith.constant 0 : i32
      %dma_wait3A_219 = tpu.memref_slice %arg12[%run_scoped3A_69, %dma_wait3A_218] : memref<8x1250xi32, #tpu.memory_space<vmem>> -> memref<1x1250xi32, #tpu.memory_space<vmem>>
      %dma_wait3A_220 = tpu.memref_squeeze %dma_wait3A_219 : memref<1x1250xi32, #tpu.memory_space<vmem>> -> memref<1250xi32, #tpu.memory_space<vmem>>
      %dma_wait3A_221 = arith.constant 0 : i32
      %dma_wait3A_222 = tpu.memref_slice %arg3[%select_n3A, %run_scoped3A_68, %select_n3A_30, %dma_wait3A_221] : memref<4x8x8x1250xi32, #tpu.memory_space<hbm>> -> memref<1x1x1x1250xi32, #tpu.memory_space<hbm>>
      %dma_wait3A_223 = tpu.memref_squeeze %dma_wait3A_222 : memref<1x1x1x1250xi32, #tpu.memory_space<hbm>> -> memref<1250xi32, #tpu.memory_space<hbm>>
      %dma_wait3A_224 = arith.constant 0 : i32
      %dma_wait3A_225 = tpu.memref_slice %arg12[%run_scoped3A_69, %dma_wait3A_224] : memref<8x1250xi32, #tpu.memory_space<vmem>> -> memref<1x1250xi32, #tpu.memory_space<vmem>>
      %dma_wait3A_226 = tpu.memref_squeeze %dma_wait3A_225 : memref<1x1250xi32, #tpu.memory_space<vmem>> -> memref<1250xi32, #tpu.memory_space<vmem>>
      %dma_wait3A_227 = arith.constant 0 : i32
      %dma_wait3A_228 = tpu.memref_slice %arg3[%select_n3A, %run_scoped3A_68, %select_n3A_30, %dma_wait3A_227] : memref<4x8x8x1250xi32, #tpu.memory_space<hbm>> -> memref<1x1x1x1250xi32, #tpu.memory_space<hbm>>
      %dma_wait3A_229 = tpu.memref_squeeze %dma_wait3A_228 : memref<1x1x1x1250xi32, #tpu.memory_space<hbm>> -> memref<1250xi32, #tpu.memory_space<hbm>>
      tpu.wait_dma2 semaphore(%run_scoped3A_206 : memref<!tpu.dma_semaphore, #tpu.memory_space<semaphore_mem>>) src(%dma_wait3A_229 : memref<1250xi32, #tpu.memory_space<hbm>>) dst(%dma_wait3A_226 : memref<1250xi32, #tpu.memory_space<vmem>>)
      tpu.yield
    }) : () -> ()
    %run_scoped3A_70 = arith.constant 6 : i32
    %run_scoped3A_71 = arith.constant 6 : i32
    "tpu.region"() ({
      %run_scoped3A_206 = tpu.sem_alloc : memref<!tpu.dma_semaphore, #tpu.memory_space<semaphore_mem>>
      %dma_start3A = arith.constant 0 : i32
      %dma_start3A_207 = tpu.memref_slice %arg12[%run_scoped3A_71, %dma_start3A] : memref<8x1250xi32, #tpu.memory_space<vmem>> -> memref<1x1250xi32, #tpu.memory_space<vmem>>
      %dma_start3A_208 = tpu.memref_squeeze %dma_start3A_207 : memref<1x1250xi32, #tpu.memory_space<vmem>> -> memref<1250xi32, #tpu.memory_space<vmem>>
      %dma_start3A_209 = arith.constant 0 : i32
      %dma_start3A_210 = tpu.memref_slice %arg3[%select_n3A, %run_scoped3A_70, %select_n3A_30, %dma_start3A_209] : memref<4x8x8x1250xi32, #tpu.memory_space<hbm>> -> memref<1x1x1x1250xi32, #tpu.memory_space<hbm>>
      %dma_start3A_211 = tpu.memref_squeeze %dma_start3A_210 : memref<1x1x1x1250xi32, #tpu.memory_space<hbm>> -> memref<1250xi32, #tpu.memory_space<hbm>>
      %dma_start3A_212 = arith.constant 0 : i32
      %dma_start3A_213 = tpu.memref_slice %arg12[%run_scoped3A_71, %dma_start3A_212] : memref<8x1250xi32, #tpu.memory_space<vmem>> -> memref<1x1250xi32, #tpu.memory_space<vmem>>
      %dma_start3A_214 = tpu.memref_squeeze %dma_start3A_213 : memref<1x1250xi32, #tpu.memory_space<vmem>> -> memref<1250xi32, #tpu.memory_space<vmem>>
      %dma_start3A_215 = arith.constant 0 : i32
      %dma_start3A_216 = tpu.memref_slice %arg3[%select_n3A, %run_scoped3A_70, %select_n3A_30, %dma_start3A_215] : memref<4x8x8x1250xi32, #tpu.memory_space<hbm>> -> memref<1x1x1x1250xi32, #tpu.memory_space<hbm>>
      %dma_start3A_217 = tpu.memref_squeeze %dma_start3A_216 : memref<1x1x1x1250xi32, #tpu.memory_space<hbm>> -> memref<1250xi32, #tpu.memory_space<hbm>>
      tpu.enqueue_dma source(%dma_start3A_217 : memref<1250xi32, #tpu.memory_space<hbm>>) target(%dma_start3A_214 : memref<1250xi32, #tpu.memory_space<vmem>>) target_semaphore(%run_scoped3A_206 : memref<!tpu.dma_semaphore, #tpu.memory_space<semaphore_mem>>)
      %dma_wait3A_218 = arith.constant 0 : i32
      %dma_wait3A_219 = tpu.memref_slice %arg12[%run_scoped3A_71, %dma_wait3A_218] : memref<8x1250xi32, #tpu.memory_space<vmem>> -> memref<1x1250xi32, #tpu.memory_space<vmem>>
      %dma_wait3A_220 = tpu.memref_squeeze %dma_wait3A_219 : memref<1x1250xi32, #tpu.memory_space<vmem>> -> memref<1250xi32, #tpu.memory_space<vmem>>
      %dma_wait3A_221 = arith.constant 0 : i32
      %dma_wait3A_222 = tpu.memref_slice %arg3[%select_n3A, %run_scoped3A_70, %select_n3A_30, %dma_wait3A_221] : memref<4x8x8x1250xi32, #tpu.memory_space<hbm>> -> memref<1x1x1x1250xi32, #tpu.memory_space<hbm>>
      %dma_wait3A_223 = tpu.memref_squeeze %dma_wait3A_222 : memref<1x1x1x1250xi32, #tpu.memory_space<hbm>> -> memref<1250xi32, #tpu.memory_space<hbm>>
      %dma_wait3A_224 = arith.constant 0 : i32
      %dma_wait3A_225 = tpu.memref_slice %arg12[%run_scoped3A_71, %dma_wait3A_224] : memref<8x1250xi32, #tpu.memory_space<vmem>> -> memref<1x1250xi32, #tpu.memory_space<vmem>>
      %dma_wait3A_226 = tpu.memref_squeeze %dma_wait3A_225 : memref<1x1250xi32, #tpu.memory_space<vmem>> -> memref<1250xi32, #tpu.memory_space<vmem>>
      %dma_wait3A_227 = arith.constant 0 : i32
      %dma_wait3A_228 = tpu.memref_slice %arg3[%select_n3A, %run_scoped3A_70, %select_n3A_30, %dma_wait3A_227] : memref<4x8x8x1250xi32, #tpu.memory_space<hbm>> -> memref<1x1x1x1250xi32, #tpu.memory_space<hbm>>
      %dma_wait3A_229 = tpu.memref_squeeze %dma_wait3A_228 : memref<1x1x1x1250xi32, #tpu.memory_space<hbm>> -> memref<1250xi32, #tpu.memory_space<hbm>>
      tpu.wait_dma2 semaphore(%run_scoped3A_206 : memref<!tpu.dma_semaphore, #tpu.memory_space<semaphore_mem>>) src(%dma_wait3A_229 : memref<1250xi32, #tpu.memory_space<hbm>>) dst(%dma_wait3A_226 : memref<1250xi32, #tpu.memory_space<vmem>>)
      tpu.yield
    }) : () -> ()
    %run_scoped3A_72 = arith.constant 7 : i32
    %run_scoped3A_73 = arith.constant 7 : i32
    "tpu.region"() ({
      %run_scoped3A_206 = tpu.sem_alloc : memref<!tpu.dma_semaphore, #tpu.memory_space<semaphore_mem>>
      %dma_start3A = arith.constant 0 : i32
      %dma_start3A_207 = tpu.memref_slice %arg12[%run_scoped3A_73, %dma_start3A] : memref<8x1250xi32, #tpu.memory_space<vmem>> -> memref<1x1250xi32, #tpu.memory_space<vmem>>
      %dma_start3A_208 = tpu.memref_squeeze %dma_start3A_207 : memref<1x1250xi32, #tpu.memory_space<vmem>> -> memref<1250xi32, #tpu.memory_space<vmem>>
      %dma_start3A_209 = arith.constant 0 : i32
      %dma_start3A_210 = tpu.memref_slice %arg3[%select_n3A, %run_scoped3A_72, %select_n3A_30, %dma_start3A_209] : memref<4x8x8x1250xi32, #tpu.memory_space<hbm>> -> memref<1x1x1x1250xi32, #tpu.memory_space<hbm>>
      %dma_start3A_211 = tpu.memref_squeeze %dma_start3A_210 : memref<1x1x1x1250xi32, #tpu.memory_space<hbm>> -> memref<1250xi32, #tpu.memory_space<hbm>>
      %dma_start3A_212 = arith.constant 0 : i32
      %dma_start3A_213 = tpu.memref_slice %arg12[%run_scoped3A_73, %dma_start3A_212] : memref<8x1250xi32, #tpu.memory_space<vmem>> -> memref<1x1250xi32, #tpu.memory_space<vmem>>
      %dma_start3A_214 = tpu.memref_squeeze %dma_start3A_213 : memref<1x1250xi32, #tpu.memory_space<vmem>> -> memref<1250xi32, #tpu.memory_space<vmem>>
      %dma_start3A_215 = arith.constant 0 : i32
      %dma_start3A_216 = tpu.memref_slice %arg3[%select_n3A, %run_scoped3A_72, %select_n3A_30, %dma_start3A_215] : memref<4x8x8x1250xi32, #tpu.memory_space<hbm>> -> memref<1x1x1x1250xi32, #tpu.memory_space<hbm>>
      %dma_start3A_217 = tpu.memref_squeeze %dma_start3A_216 : memref<1x1x1x1250xi32, #tpu.memory_space<hbm>> -> memref<1250xi32, #tpu.memory_space<hbm>>
      tpu.enqueue_dma source(%dma_start3A_217 : memref<1250xi32, #tpu.memory_space<hbm>>) target(%dma_start3A_214 : memref<1250xi32, #tpu.memory_space<vmem>>) target_semaphore(%run_scoped3A_206 : memref<!tpu.dma_semaphore, #tpu.memory_space<semaphore_mem>>)
      %dma_wait3A_218 = arith.constant 0 : i32
      %dma_wait3A_219 = tpu.memref_slice %arg12[%run_scoped3A_73, %dma_wait3A_218] : memref<8x1250xi32, #tpu.memory_space<vmem>> -> memref<1x1250xi32, #tpu.memory_space<vmem>>
      %dma_wait3A_220 = tpu.memref_squeeze %dma_wait3A_219 : memref<1x1250xi32, #tpu.memory_space<vmem>> -> memref<1250xi32, #tpu.memory_space<vmem>>
      %dma_wait3A_221 = arith.constant 0 : i32
      %dma_wait3A_222 = tpu.memref_slice %arg3[%select_n3A, %run_scoped3A_72, %select_n3A_30, %dma_wait3A_221] : memref<4x8x8x1250xi32, #tpu.memory_space<hbm>> -> memref<1x1x1x1250xi32, #tpu.memory_space<hbm>>
      %dma_wait3A_223 = tpu.memref_squeeze %dma_wait3A_222 : memref<1x1x1x1250xi32, #tpu.memory_space<hbm>> -> memref<1250xi32, #tpu.memory_space<hbm>>
      %dma_wait3A_224 = arith.constant 0 : i32
      %dma_wait3A_225 = tpu.memref_slice %arg12[%run_scoped3A_73, %dma_wait3A_224] : memref<8x1250xi32, #tpu.memory_space<vmem>> -> memref<1x1250xi32, #tpu.memory_space<vmem>>
      %dma_wait3A_226 = tpu.memref_squeeze %dma_wait3A_225 : memref<1x1250xi32, #tpu.memory_space<vmem>> -> memref<1250xi32, #tpu.memory_space<vmem>>
      %dma_wait3A_227 = arith.constant 0 : i32
      %dma_wait3A_228 = tpu.memref_slice %arg3[%select_n3A, %run_scoped3A_72, %select_n3A_30, %dma_wait3A_227] : memref<4x8x8x1250xi32, #tpu.memory_space<hbm>> -> memref<1x1x1x1250xi32, #tpu.memory_space<hbm>>
      %dma_wait3A_229 = tpu.memref_squeeze %dma_wait3A_228 : memref<1x1x1x1250xi32, #tpu.memory_space<hbm>> -> memref<1250xi32, #tpu.memory_space<hbm>>
      tpu.wait_dma2 semaphore(%run_scoped3A_206 : memref<!tpu.dma_semaphore, #tpu.memory_space<semaphore_mem>>) src(%dma_wait3A_229 : memref<1250xi32, #tpu.memory_space<hbm>>) dst(%dma_wait3A_226 : memref<1250xi32, #tpu.memory_space<vmem>>)
      tpu.yield
    }) : () -> ()
    %jit3A_74 = arith.constant 8 : i32
    %eq3A_75 = arith.constant 0 : i32
    %eq3A_76 = arith.cmpi eq, %jit3A_74, %eq3A_75 : i32
    %jit3A_77 = arith.constant 1 : i32
    %select_n3A_78 = arith.select %eq3A_76, %jit3A_77, %jit3A_74 : i32
    %rem3A_79 = vector.broadcast %select_n3A_78 : i32 to vector<16xi32>
    %rem3A_80 = arith.remsi %iota3A, %rem3A_79 : vector<16xi32>
    %ne3A_81 = arith.constant 0 : i32
    %ne3A_82 = vector.broadcast %ne3A_81 : i32 to vector<16xi32>
    %ne3A_83 = arith.cmpi ne, %rem3A_80, %ne3A_82 : vector<16xi32>
    %lt3A_84 = arith.constant 0 : i32
    %lt3A_85 = vector.broadcast %lt3A_84 : i32 to vector<16xi32>
    %lt3A_86 = arith.cmpi slt, %rem3A_80, %lt3A_85 : vector<16xi32>
    %lt3A_87 = arith.constant 0 : i32
    %lt3A_88 = arith.cmpi slt, %select_n3A_78, %lt3A_87 : i32
    %ne3A_89 = vector.broadcast %lt3A_88 : i1 to vector<16xi1>
    %ne3A_90 = vector.broadcast %ne3A_89 : vector<16xi1> to vector<16xi1>
    %ne3A_91 = arith.xori %lt3A_86, %ne3A_90 : vector<16xi1>
    %and3A_92 = arith.andi %ne3A_91, %ne3A_83 : vector<16xi1>
    %add3A_93 = vector.broadcast %select_n3A_78 : i32 to vector<16xi32>
    %add3A_94 = arith.addi %rem3A_80, %add3A_93 : vector<16xi32>
    %select_n3A_95 = arith.select %and3A_92, %add3A_94, %rem3A_80 : vector<16xi1>, vector<16xi32>
    %jit3A_96 = arith.constant 8 : i32
    %div3A_97 = vector.broadcast %jit3A_96 : i32 to vector<16xi32>
    %div3A_98 = arith.divsi %iota3A, %div3A_97 : vector<16xi32>
    %sign3A_99 = arith.constant 0 : i32
    %sign3A_100 = vector.broadcast %sign3A_99 : i32 to vector<16xi32>
    %sign3A_101 = arith.cmpi sgt, %iota3A, %sign3A_100 : vector<16xi32>
    %sign3A_102 = arith.extui %sign3A_101 : vector<16xi1> to vector<16xi32>
    %sign3A_103 = arith.constant 0 : i32
    %sign3A_104 = vector.broadcast %sign3A_103 : i32 to vector<16xi32>
    %sign3A_105 = arith.cmpi slt, %iota3A, %sign3A_104 : vector<16xi32>
    %sign3A_106 = arith.extui %sign3A_105 : vector<16xi1> to vector<16xi32>
    %sign3A_107 = arith.subi %sign3A_102, %sign3A_106 : vector<16xi32>
    %sign3A_108 = arith.constant 0 : i32
    %sign3A_109 = arith.cmpi sgt, %jit3A_96, %sign3A_108 : i32
    %sign3A_110 = arith.extui %sign3A_109 : i1 to i32
    %sign3A_111 = arith.constant 0 : i32
    %sign3A_112 = arith.cmpi slt, %jit3A_96, %sign3A_111 : i32
    %sign3A_113 = arith.extui %sign3A_112 : i1 to i32
    %sign3A_114 = arith.subi %sign3A_110, %sign3A_113 : i32
    %ne3A_115 = vector.broadcast %sign3A_114 : i32 to vector<16xi32>
    %ne3A_116 = arith.cmpi ne, %sign3A_107, %ne3A_115 : vector<16xi32>
    %rem3A_117 = vector.broadcast %jit3A_96 : i32 to vector<16xi32>
    %rem3A_118 = arith.remsi %iota3A, %rem3A_117 : vector<16xi32>
    %ne3A_119 = arith.constant 0 : i32
    %ne3A_120 = vector.broadcast %ne3A_119 : i32 to vector<16xi32>
    %ne3A_121 = arith.cmpi ne, %rem3A_118, %ne3A_120 : vector<16xi32>
    %and3A_122 = arith.andi %ne3A_116, %ne3A_121 : vector<16xi1>
    %sub3A_123 = arith.constant 1 : i32
    %sub3A_124 = vector.broadcast %sub3A_123 : i32 to vector<16xi32>
    %sub3A_125 = arith.subi %div3A_98, %sub3A_124 : vector<16xi32>
    %select_n3A_126 = arith.select %and3A_122, %sub3A_125, %div3A_98 : vector<16xi1>, vector<16xi32>
    %scan3A = arith.constant 0 : i32
    %scan3A_127 = arith.constant 625 : i32
    %scan3A_128 = arith.addi %scan3A, %scan3A_127 : i32
    %scan3A_129 = arith.constant 1 : i32
    scf.for %scan3A_206 = %scan3A to %scan3A_128 step %scan3A_129  : i32 {
      %mul3A_207 = arith.constant 1 : i32
      %mul3A_208 = arith.muli %scan3A_206, %mul3A_207 : i32
      %add3A_209 = arith.constant 0 : i32
      %add3A_210 = arith.addi %add3A_209, %mul3A_208 : i32
      %mul3A_211 = arith.constant 2 : i32
      %mul3A_212 = arith.muli %mul3A_211, %add3A_210 : i32
      %add3A_213 = vector.broadcast %mul3A_212 : i32 to vector<16xi32>
      %add3A_214 = arith.addi %select_n3A_126, %add3A_213 : vector<16xi32>
      %gather3A = tpu.vector_load_idx %arg12[%select_n3A_95, %add3A_214] : memref<8x1250xi32, #tpu.memory_space<vmem>>[vector<16xi32>, vector<16xi32>], vector<16xi32>,
      %mul3A_215 = arith.constant 16 : i32
      %mul3A_216 = arith.muli %mul3A_215, %add3A_210 : i32
      %swap3A_217 = arith.index_cast %mul3A_216 : i32 to index
      %swap3A_218 = tpu.vector_load %arg13[%swap3A_217] {strides = array<i32>} : memref<10000xi32, #tpu.memory_space<vmem>>, vector<16xi32>,
      tpu.vector_store %arg13[%swap3A_217], %gather3A {strides = array<i32>} : memref<10000xi32, #tpu.memory_space<vmem>>, vector<16xi32>,
    }
    %scan3A_130 = arith.constant 625 : i32
    %barrier3A = arith.constant 0 : index
    tpu.barrier barrier_id(%barrier3A)
    %mul3A_131 = arith.constant 10000 : i32
    %mul3A_132 = arith.muli %add3A, %mul3A_131 : i32
    %add3A_133 = arith.constant 0 : i32
    %add3A_134 = arith.addi %mul3A_132, %add3A_133 : i32
    "tpu.region"() ({
      %run_scoped3A_206 = tpu.sem_alloc : memref<!tpu.dma_semaphore, #tpu.memory_space<semaphore_mem>>
      %dma_start3A = arith.constant 0 : i32
      %dma_start3A_207 = tpu.memref_slice %arg2[%add3A_134, %dma_start3A] : memref<320000x16xf32, #tpu.memory_space<hbm>> -> memref<2000x16xf32, #tpu.memory_space<hbm>>
      %dma_start3A_208 = arith.constant 0 : i32
      %dma_start3A_209 = tpu.memref_slice %arg2[%add3A_134, %dma_start3A_208] : memref<320000x16xf32, #tpu.memory_space<hbm>> -> memref<2000x16xf32, #tpu.memory_space<hbm>>
      tpu.enqueue_dma source(%dma_start3A_209 : memref<2000x16xf32, #tpu.memory_space<hbm>>) target(%arg10 : memref<2000x16xf32, #tpu.memory_space<vmem>>) target_semaphore(%run_scoped3A_206 : memref<!tpu.dma_semaphore, #tpu.memory_space<semaphore_mem>>)
      %dma_wait3A_210 = arith.constant 0 : i32
      %dma_wait3A_211 = tpu.memref_slice %arg2[%add3A_134, %dma_wait3A_210] : memref<320000x16xf32, #tpu.memory_space<hbm>> -> memref<2000x16xf32, #tpu.memory_space<hbm>>
      %dma_wait3A_212 = arith.constant 0 : i32
      %dma_wait3A_213 = tpu.memref_slice %arg2[%add3A_134, %dma_wait3A_212] : memref<320000x16xf32, #tpu.memory_space<hbm>> -> memref<2000x16xf32, #tpu.memory_space<hbm>>
      tpu.wait_dma2 semaphore(%run_scoped3A_206 : memref<!tpu.dma_semaphore, #tpu.memory_space<semaphore_mem>>) src(%dma_wait3A_213 : memref<2000x16xf32, #tpu.memory_space<hbm>>) dst(%arg10 : memref<2000x16xf32, #tpu.memory_space<vmem>>)
      tpu.yield
    }) : () -> ()
    %scan3A_135 = arith.constant 0 : i32
    %scan3A_136 = arith.constant 25 : i32
    %scan3A_137 = arith.addi %scan3A_135, %scan3A_136 : i32
    %scan3A_138 = arith.constant 1 : i32
    scf.for %scan3A_206 = %scan3A_135 to %scan3A_137 step %scan3A_138  : i32 {
      %mul3A_207 = arith.constant 1 : i32
      %mul3A_208 = arith.muli %scan3A_206, %mul3A_207 : i32
      %add3A_209 = arith.constant 0 : i32
      %add3A_210 = arith.addi %add3A_209, %mul3A_208 : i32
      %mul3A_211 = arith.constant 80 : i32
      %mul3A_212 = arith.muli %add3A_210, %mul3A_211 : i32
      %add3A_213 = arith.constant 0 : i32
      %add3A_214 = arith.addi %add3A_213, %mul3A_212 : i32
      %mul3A_215 = arith.constant 80 : i32
      %mul3A_216 = arith.muli %add3A_210, %mul3A_215 : i32
      %dma_start3A = arith.constant 0 : i32
      %dma_start3A_217 = tpu.memref_slice %arg10[%mul3A_216, %dma_start3A] : memref<2000x16xf32, #tpu.memory_space<vmem>> -> memref<80x16xf32, #tpu.memory_space<vmem>>
      %dma_start3A_218 = tpu.memref_slice %arg13[%add3A_214] : memref<10000xi32, #tpu.memory_space<vmem>> -> memref<80xi32, #tpu.memory_space<vmem>>
      %dma_start3A_219 = arith.constant 0 : i32
      %dma_start3A_220 = arith.constant 0 : i32
      %dma_start3A_221 = tpu.memref_slice %arg8[%dma_start3A_219, %dma_start3A_220] : memref<10240x16xf32, #tpu.memory_space<vmem_shared>> -> memref<10240x16xf32, #tpu.memory_space<vmem_shared>>
      tpu.enqueue_indirect_dma source(%dma_start3A_217 : memref<80x16xf32, #tpu.memory_space<vmem>>) target(%dma_start3A_221 : memref<10240x16xf32, #tpu.memory_space<vmem_shared>>) offsets(%dma_start3A_218 : memref<80xi32, #tpu.memory_space<vmem>>) semaphore(%arg16 : memref<!tpu.dma_semaphore, #tpu.memory_space<semaphore_mem>>) {add = true}
      %dma_start3A_222 = arith.constant 0 : i32
      %dma_start3A_223 = tpu.memref_slice %arg14[%dma_start3A_222] : memref<112xf32, #tpu.memory_space<vmem>> -> memref<80xf32, #tpu.memory_space<vmem>>
      %dma_start3A_224 = tpu.memref_slice %arg13[%add3A_214] : memref<10000xi32, #tpu.memory_space<vmem>> -> memref<80xi32, #tpu.memory_space<vmem>>
      %dma_start3A_225 = arith.constant 0 : i32
      %dma_start3A_226 = tpu.memref_slice %arg9[%dma_start3A_225] : memref<10240xf32, #tpu.memory_space<vmem_shared>> -> memref<10240xf32, #tpu.memory_space<vmem_shared>>
      tpu.enqueue_indirect_dma source(%dma_start3A_223 : memref<80xf32, #tpu.memory_space<vmem>>) target(%dma_start3A_226 : memref<10240xf32, #tpu.memory_space<vmem_shared>>) offsets(%dma_start3A_224 : memref<80xi32, #tpu.memory_space<vmem>>) semaphore(%arg16 : memref<!tpu.dma_semaphore, #tpu.memory_space<semaphore_mem>>) {add = true}
    }
    %scan3A_139 = arith.constant 25 : i32
    %mul3A_140 = arith.constant 10000 : i32
    %mul3A_141 = arith.muli %add3A, %mul3A_140 : i32
    %add3A_142 = arith.constant 2000 : i32
    %add3A_143 = arith.addi %mul3A_141, %add3A_142 : i32
    "tpu.region"() ({
      %run_scoped3A_206 = tpu.sem_alloc : memref<!tpu.dma_semaphore, #tpu.memory_space<semaphore_mem>>
      %dma_start3A = arith.constant 0 : i32
      %dma_start3A_207 = tpu.memref_slice %arg2[%add3A_143, %dma_start3A] : memref<320000x16xf32, #tpu.memory_space<hbm>> -> memref<2000x16xf32, #tpu.memory_space<hbm>>
      %dma_start3A_208 = arith.constant 0 : i32
      %dma_start3A_209 = tpu.memref_slice %arg2[%add3A_143, %dma_start3A_208] : memref<320000x16xf32, #tpu.memory_space<hbm>> -> memref<2000x16xf32, #tpu.memory_space<hbm>>
      tpu.enqueue_dma source(%dma_start3A_209 : memref<2000x16xf32, #tpu.memory_space<hbm>>) target(%arg11 : memref<2000x16xf32, #tpu.memory_space<vmem>>) target_semaphore(%run_scoped3A_206 : memref<!tpu.dma_semaphore, #tpu.memory_space<semaphore_mem>>)
      %dma_wait3A_210 = arith.constant 0 : i32
      %dma_wait3A_211 = tpu.memref_slice %arg2[%add3A_143, %dma_wait3A_210] : memref<320000x16xf32, #tpu.memory_space<hbm>> -> memref<2000x16xf32, #tpu.memory_space<hbm>>
      %dma_wait3A_212 = arith.constant 0 : i32
      %dma_wait3A_213 = tpu.memref_slice %arg2[%add3A_143, %dma_wait3A_212] : memref<320000x16xf32, #tpu.memory_space<hbm>> -> memref<2000x16xf32, #tpu.memory_space<hbm>>
      tpu.wait_dma2 semaphore(%run_scoped3A_206 : memref<!tpu.dma_semaphore, #tpu.memory_space<semaphore_mem>>) src(%dma_wait3A_213 : memref<2000x16xf32, #tpu.memory_space<hbm>>) dst(%arg11 : memref<2000x16xf32, #tpu.memory_space<vmem>>)
      tpu.yield
    }) : () -> ()
    %dma_wait3A = arith.constant 0 : i32
    %dma_wait3A_144 = arith.constant 0 : i32
    %dma_wait3A_145 = tpu.memref_slice %arg2[%dma_wait3A, %dma_wait3A_144] : memref<320000x16xf32, #tpu.memory_space<hbm>> -> memref<2125x16xf32, #tpu.memory_space<hbm>>
    %dma_wait3A_146 = arith.constant 0 : i32
    %dma_wait3A_147 = arith.constant 0 : i32
    %dma_wait3A_148 = tpu.memref_slice %arg2[%dma_wait3A_146, %dma_wait3A_147] : memref<320000x16xf32, #tpu.memory_space<hbm>> -> memref<2125x16xf32, #tpu.memory_space<hbm>>
    tpu.wait_dma2 semaphore(%arg16 : memref<!tpu.dma_semaphore, #tpu.memory_space<semaphore_mem>>) src(%dma_wait3A_148 : memref<2125x16xf32, #tpu.memory_space<hbm>>) dst(%arg15 : memref<2125x16xf32, #tpu.memory_space<vmem>>)
    %scan3A_149 = arith.constant 0 : i32
    %scan3A_150 = arith.constant 25 : i32
    %scan3A_151 = arith.addi %scan3A_149, %scan3A_150 : i32
    %scan3A_152 = arith.constant 1 : i32
    scf.for %scan3A_206 = %scan3A_149 to %scan3A_151 step %scan3A_152  : i32 {
      %mul3A_207 = arith.constant 1 : i32
      %mul3A_208 = arith.muli %scan3A_206, %mul3A_207 : i32
      %add3A_209 = arith.constant 0 : i32
      %add3A_210 = arith.addi %add3A_209, %mul3A_208 : i32
      %mul3A_211 = arith.constant 80 : i32
      %mul3A_212 = arith.muli %add3A_210, %mul3A_211 : i32
      %add3A_213 = arith.constant 2000 : i32
      %add3A_214 = arith.addi %add3A_213, %mul3A_212 : i32
      %mul3A_215 = arith.constant 80 : i32
      %mul3A_216 = arith.muli %add3A_210, %mul3A_215 : i32
      %dma_start3A = arith.constant 0 : i32
      %dma_start3A_217 = tpu.memref_slice %arg11[%mul3A_216, %dma_start3A] : memref<2000x16xf32, #tpu.memory_space<vmem>> -> memref<80x16xf32, #tpu.memory_space<vmem>>
      %dma_start3A_218 = tpu.memref_slice %arg13[%add3A_214] : memref<10000xi32, #tpu.memory_space<vmem>> -> memref<80xi32, #tpu.memory_space<vmem>>
      %dma_start3A_219 = arith.constant 0 : i32
      %dma_start3A_220 = arith.constant 0 : i32
      %dma_start3A_221 = tpu.memref_slice %arg8[%dma_start3A_219, %dma_start3A_220] : memref<10240x16xf32, #tpu.memory_space<vmem_shared>> -> memref<10240x16xf32, #tpu.memory_space<vmem_shared>>
      tpu.enqueue_indirect_dma source(%dma_start3A_217 : memref<80x16xf32, #tpu.memory_space<vmem>>) target(%dma_start3A_221 : memref<10240x16xf32, #tpu.memory_space<vmem_shared>>) offsets(%dma_start3A_218 : memref<80xi32, #tpu.memory_space<vmem>>) semaphore(%arg16 : memref<!tpu.dma_semaphore, #tpu.memory_space<semaphore_mem>>) {add = true}
      %dma_start3A_222 = arith.constant 0 : i32
      %dma_start3A_223 = tpu.memref_slice %arg14[%dma_start3A_222] : memref<112xf32, #tpu.memory_space<vmem>> -> memref<80xf32, #tpu.memory_space<vmem>>
      %dma_start3A_224 = tpu.memref_slice %arg13[%add3A_214] : memref<10000xi32, #tpu.memory_space<vmem>> -> memref<80xi32, #tpu.memory_space<vmem>>
      %dma_start3A_225 = arith.constant 0 : i32
      %dma_start3A_226 = tpu.memref_slice %arg9[%dma_start3A_225] : memref<10240xf32, #tpu.memory_space<vmem_shared>> -> memref<10240xf32, #tpu.memory_space<vmem_shared>>
      tpu.enqueue_indirect_dma source(%dma_start3A_223 : memref<80xf32, #tpu.memory_space<vmem>>) target(%dma_start3A_226 : memref<10240xf32, #tpu.memory_space<vmem_shared>>) offsets(%dma_start3A_224 : memref<80xi32, #tpu.memory_space<vmem>>) semaphore(%arg16 : memref<!tpu.dma_semaphore, #tpu.memory_space<semaphore_mem>>) {add = true}
    }
    %scan3A_153 = arith.constant 25 : i32
    %mul3A_154 = arith.constant 10000 : i32
    %mul3A_155 = arith.muli %add3A, %mul3A_154 : i32
    %add3A_156 = arith.constant 4000 : i32
    %add3A_157 = arith.addi %mul3A_155, %add3A_156 : i32
    "tpu.region"() ({
      %run_scoped3A_206 = tpu.sem_alloc : memref<!tpu.dma_semaphore, #tpu.memory_space<semaphore_mem>>
      %dma_start3A = arith.constant 0 : i32
      %dma_start3A_207 = tpu.memref_slice %arg2[%add3A_157, %dma_start3A] : memref<320000x16xf32, #tpu.memory_space<hbm>> -> memref<2000x16xf32, #tpu.memory_space<hbm>>
      %dma_start3A_208 = arith.constant 0 : i32
      %dma_start3A_209 = tpu.memref_slice %arg2[%add3A_157, %dma_start3A_208] : memref<320000x16xf32, #tpu.memory_space<hbm>> -> memref<2000x16xf32, #tpu.memory_space<hbm>>
      tpu.enqueue_dma source(%dma_start3A_209 : memref<2000x16xf32, #tpu.memory_space<hbm>>) target(%arg10 : memref<2000x16xf32, #tpu.memory_space<vmem>>) target_semaphore(%run_scoped3A_206 : memref<!tpu.dma_semaphore, #tpu.memory_space<semaphore_mem>>)
      %dma_wait3A_210 = arith.constant 0 : i32
      %dma_wait3A_211 = tpu.memref_slice %arg2[%add3A_157, %dma_wait3A_210] : memref<320000x16xf32, #tpu.memory_space<hbm>> -> memref<2000x16xf32, #tpu.memory_space<hbm>>
      %dma_wait3A_212 = arith.constant 0 : i32
      %dma_wait3A_213 = tpu.memref_slice %arg2[%add3A_157, %dma_wait3A_212] : memref<320000x16xf32, #tpu.memory_space<hbm>> -> memref<2000x16xf32, #tpu.memory_space<hbm>>
      tpu.wait_dma2 semaphore(%run_scoped3A_206 : memref<!tpu.dma_semaphore, #tpu.memory_space<semaphore_mem>>) src(%dma_wait3A_213 : memref<2000x16xf32, #tpu.memory_space<hbm>>) dst(%arg10 : memref<2000x16xf32, #tpu.memory_space<vmem>>)
      tpu.yield
    }) : () -> ()
    %dma_wait3A_158 = arith.constant 0 : i32
    %dma_wait3A_159 = arith.constant 0 : i32
    %dma_wait3A_160 = tpu.memref_slice %arg2[%dma_wait3A_158, %dma_wait3A_159] : memref<320000x16xf32, #tpu.memory_space<hbm>> -> memref<2125x16xf32, #tpu.memory_space<hbm>>
    %dma_wait3A_161 = arith.constant 0 : i32
    %dma_wait3A_162 = arith.constant 0 : i32
    %dma_wait3A_163 = tpu.memref_slice %arg2[%dma_wait3A_161, %dma_wait3A_162] : memref<320000x16xf32, #tpu.memory_space<hbm>> -> memref<2125x16xf32, #tpu.memory_space<hbm>>
    tpu.wait_dma2 semaphore(%arg16 : memref<!tpu.dma_semaphore, #tpu.memory_space<semaphore_mem>>) src(%dma_wait3A_163 : memref<2125x16xf32, #tpu.memory_space<hbm>>) dst(%arg15 : memref<2125x16xf32, #tpu.memory_space<vmem>>)
    %scan3A_164 = arith.constant 0 : i32
    %scan3A_165 = arith.constant 25 : i32
    %scan3A_166 = arith.addi %scan3A_164, %scan3A_165 : i32
    %scan3A_167 = arith.constant 1 : i32
    scf.for %scan3A_206 = %scan3A_164 to %scan3A_166 step %scan3A_167  : i32 {
      %mul3A_207 = arith.constant 1 : i32
      %mul3A_208 = arith.muli %scan3A_206, %mul3A_207 : i32
      %add3A_209 = arith.constant 0 : i32
      %add3A_210 = arith.addi %add3A_209, %mul3A_208 : i32
      %mul3A_211 = arith.constant 80 : i32
      %mul3A_212 = arith.muli %add3A_210, %mul3A_211 : i32
      %add3A_213 = arith.constant 4000 : i32
      %add3A_214 = arith.addi %add3A_213, %mul3A_212 : i32
      %mul3A_215 = arith.constant 80 : i32
      %mul3A_216 = arith.muli %add3A_210, %mul3A_215 : i32
      %dma_start3A = arith.constant 0 : i32
      %dma_start3A_217 = tpu.memref_slice %arg10[%mul3A_216, %dma_start3A] : memref<2000x16xf32, #tpu.memory_space<vmem>> -> memref<80x16xf32, #tpu.memory_space<vmem>>
      %dma_start3A_218 = tpu.memref_slice %arg13[%add3A_214] : memref<10000xi32, #tpu.memory_space<vmem>> -> memref<80xi32, #tpu.memory_space<vmem>>
      %dma_start3A_219 = arith.constant 0 : i32
      %dma_start3A_220 = arith.constant 0 : i32
      %dma_start3A_221 = tpu.memref_slice %arg8[%dma_start3A_219, %dma_start3A_220] : memref<10240x16xf32, #tpu.memory_space<vmem_shared>> -> memref<10240x16xf32, #tpu.memory_space<vmem_shared>>
      tpu.enqueue_indirect_dma source(%dma_start3A_217 : memref<80x16xf32, #tpu.memory_space<vmem>>) target(%dma_start3A_221 : memref<10240x16xf32, #tpu.memory_space<vmem_shared>>) offsets(%dma_start3A_218 : memref<80xi32, #tpu.memory_space<vmem>>) semaphore(%arg16 : memref<!tpu.dma_semaphore, #tpu.memory_space<semaphore_mem>>) {add = true}
      %dma_start3A_222 = arith.constant 0 : i32
      %dma_start3A_223 = tpu.memref_slice %arg14[%dma_start3A_222] : memref<112xf32, #tpu.memory_space<vmem>> -> memref<80xf32, #tpu.memory_space<vmem>>
      %dma_start3A_224 = tpu.memref_slice %arg13[%add3A_214] : memref<10000xi32, #tpu.memory_space<vmem>> -> memref<80xi32, #tpu.memory_space<vmem>>
      %dma_start3A_225 = arith.constant 0 : i32
      %dma_start3A_226 = tpu.memref_slice %arg9[%dma_start3A_225] : memref<10240xf32, #tpu.memory_space<vmem_shared>> -> memref<10240xf32, #tpu.memory_space<vmem_shared>>
      tpu.enqueue_indirect_dma source(%dma_start3A_223 : memref<80xf32, #tpu.memory_space<vmem>>) target(%dma_start3A_226 : memref<10240xf32, #tpu.memory_space<vmem_shared>>) offsets(%dma_start3A_224 : memref<80xi32, #tpu.memory_space<vmem>>) semaphore(%arg16 : memref<!tpu.dma_semaphore, #tpu.memory_space<semaphore_mem>>) {add = true}
    }
    %scan3A_168 = arith.constant 25 : i32
    %mul3A_169 = arith.constant 10000 : i32
    %mul3A_170 = arith.muli %add3A, %mul3A_169 : i32
    %add3A_171 = arith.constant 6000 : i32
    %add3A_172 = arith.addi %mul3A_170, %add3A_171 : i32
    "tpu.region"() ({
      %run_scoped3A_206 = tpu.sem_alloc : memref<!tpu.dma_semaphore, #tpu.memory_space<semaphore_mem>>
      %dma_start3A = arith.constant 0 : i32
      %dma_start3A_207 = tpu.memref_slice %arg2[%add3A_172, %dma_start3A] : memref<320000x16xf32, #tpu.memory_space<hbm>> -> memref<2000x16xf32, #tpu.memory_space<hbm>>
      %dma_start3A_208 = arith.constant 0 : i32
      %dma_start3A_209 = tpu.memref_slice %arg2[%add3A_172, %dma_start3A_208] : memref<320000x16xf32, #tpu.memory_space<hbm>> -> memref<2000x16xf32, #tpu.memory_space<hbm>>
      tpu.enqueue_dma source(%dma_start3A_209 : memref<2000x16xf32, #tpu.memory_space<hbm>>) target(%arg11 : memref<2000x16xf32, #tpu.memory_space<vmem>>) target_semaphore(%run_scoped3A_206 : memref<!tpu.dma_semaphore, #tpu.memory_space<semaphore_mem>>)
      %dma_wait3A_210 = arith.constant 0 : i32
      %dma_wait3A_211 = tpu.memref_slice %arg2[%add3A_172, %dma_wait3A_210] : memref<320000x16xf32, #tpu.memory_space<hbm>> -> memref<2000x16xf32, #tpu.memory_space<hbm>>
      %dma_wait3A_212 = arith.constant 0 : i32
      %dma_wait3A_213 = tpu.memref_slice %arg2[%add3A_172, %dma_wait3A_212] : memref<320000x16xf32, #tpu.memory_space<hbm>> -> memref<2000x16xf32, #tpu.memory_space<hbm>>
      tpu.wait_dma2 semaphore(%run_scoped3A_206 : memref<!tpu.dma_semaphore, #tpu.memory_space<semaphore_mem>>) src(%dma_wait3A_213 : memref<2000x16xf32, #tpu.memory_space<hbm>>) dst(%arg11 : memref<2000x16xf32, #tpu.memory_space<vmem>>)
      tpu.yield
    }) : () -> ()
    %dma_wait3A_173 = arith.constant 0 : i32
    %dma_wait3A_174 = arith.constant 0 : i32
    %dma_wait3A_175 = tpu.memref_slice %arg2[%dma_wait3A_173, %dma_wait3A_174] : memref<320000x16xf32, #tpu.memory_space<hbm>> -> memref<2125x16xf32, #tpu.memory_space<hbm>>
    %dma_wait3A_176 = arith.constant 0 : i32
    %dma_wait3A_177 = arith.constant 0 : i32
    %dma_wait3A_178 = tpu.memref_slice %arg2[%dma_wait3A_176, %dma_wait3A_177] : memref<320000x16xf32, #tpu.memory_space<hbm>> -> memref<2125x16xf32, #tpu.memory_space<hbm>>
    tpu.wait_dma2 semaphore(%arg16 : memref<!tpu.dma_semaphore, #tpu.memory_space<semaphore_mem>>) src(%dma_wait3A_178 : memref<2125x16xf32, #tpu.memory_space<hbm>>) dst(%arg15 : memref<2125x16xf32, #tpu.memory_space<vmem>>)
    %scan3A_179 = arith.constant 0 : i32
    %scan3A_180 = arith.constant 25 : i32
    %scan3A_181 = arith.addi %scan3A_179, %scan3A_180 : i32
    %scan3A_182 = arith.constant 1 : i32
    scf.for %scan3A_206 = %scan3A_179 to %scan3A_181 step %scan3A_182  : i32 {
      %mul3A_207 = arith.constant 1 : i32
      %mul3A_208 = arith.muli %scan3A_206, %mul3A_207 : i32
      %add3A_209 = arith.constant 0 : i32
      %add3A_210 = arith.addi %add3A_209, %mul3A_208 : i32
      %mul3A_211 = arith.constant 80 : i32
      %mul3A_212 = arith.muli %add3A_210, %mul3A_211 : i32
      %add3A_213 = arith.constant 6000 : i32
      %add3A_214 = arith.addi %add3A_213, %mul3A_212 : i32
      %mul3A_215 = arith.constant 80 : i32
      %mul3A_216 = arith.muli %add3A_210, %mul3A_215 : i32
      %dma_start3A = arith.constant 0 : i32
      %dma_start3A_217 = tpu.memref_slice %arg11[%mul3A_216, %dma_start3A] : memref<2000x16xf32, #tpu.memory_space<vmem>> -> memref<80x16xf32, #tpu.memory_space<vmem>>
      %dma_start3A_218 = tpu.memref_slice %arg13[%add3A_214] : memref<10000xi32, #tpu.memory_space<vmem>> -> memref<80xi32, #tpu.memory_space<vmem>>
      %dma_start3A_219 = arith.constant 0 : i32
      %dma_start3A_220 = arith.constant 0 : i32
      %dma_start3A_221 = tpu.memref_slice %arg8[%dma_start3A_219, %dma_start3A_220] : memref<10240x16xf32, #tpu.memory_space<vmem_shared>> -> memref<10240x16xf32, #tpu.memory_space<vmem_shared>>
      tpu.enqueue_indirect_dma source(%dma_start3A_217 : memref<80x16xf32, #tpu.memory_space<vmem>>) target(%dma_start3A_221 : memref<10240x16xf32, #tpu.memory_space<vmem_shared>>) offsets(%dma_start3A_218 : memref<80xi32, #tpu.memory_space<vmem>>) semaphore(%arg16 : memref<!tpu.dma_semaphore, #tpu.memory_space<semaphore_mem>>) {add = true}
      %dma_start3A_222 = arith.constant 0 : i32
      %dma_start3A_223 = tpu.memref_slice %arg14[%dma_start3A_222] : memref<112xf32, #tpu.memory_space<vmem>> -> memref<80xf32, #tpu.memory_space<vmem>>
      %dma_start3A_224 = tpu.memref_slice %arg13[%add3A_214] : memref<10000xi32, #tpu.memory_space<vmem>> -> memref<80xi32, #tpu.memory_space<vmem>>
      %dma_start3A_225 = arith.constant 0 : i32
      %dma_start3A_226 = tpu.memref_slice %arg9[%dma_start3A_225] : memref<10240xf32, #tpu.memory_space<vmem_shared>> -> memref<10240xf32, #tpu.memory_space<vmem_shared>>
      tpu.enqueue_indirect_dma source(%dma_start3A_223 : memref<80xf32, #tpu.memory_space<vmem>>) target(%dma_start3A_226 : memref<10240xf32, #tpu.memory_space<vmem_shared>>) offsets(%dma_start3A_224 : memref<80xi32, #tpu.memory_space<vmem>>) semaphore(%arg16 : memref<!tpu.dma_semaphore, #tpu.memory_space<semaphore_mem>>) {add = true}
    }
    %scan3A_183 = arith.constant 25 : i32
    %mul3A_184 = arith.constant 10000 : i32
    %mul3A_185 = arith.muli %add3A, %mul3A_184 : i32
    %add3A_186 = arith.constant 8000 : i32
    %add3A_187 = arith.addi %mul3A_185, %add3A_186 : i32
    "tpu.region"() ({
      %run_scoped3A_206 = tpu.sem_alloc : memref<!tpu.dma_semaphore, #tpu.memory_space<semaphore_mem>>
      %dma_start3A = arith.constant 0 : i32
      %dma_start3A_207 = tpu.memref_slice %arg2[%add3A_187, %dma_start3A] : memref<320000x16xf32, #tpu.memory_space<hbm>> -> memref<2000x16xf32, #tpu.memory_space<hbm>>
      %dma_start3A_208 = arith.constant 0 : i32
      %dma_start3A_209 = tpu.memref_slice %arg2[%add3A_187, %dma_start3A_208] : memref<320000x16xf32, #tpu.memory_space<hbm>> -> memref<2000x16xf32, #tpu.memory_space<hbm>>
      tpu.enqueue_dma source(%dma_start3A_209 : memref<2000x16xf32, #tpu.memory_space<hbm>>) target(%arg10 : memref<2000x16xf32, #tpu.memory_space<vmem>>) target_semaphore(%run_scoped3A_206 : memref<!tpu.dma_semaphore, #tpu.memory_space<semaphore_mem>>)
      %dma_wait3A_210 = arith.constant 0 : i32
      %dma_wait3A_211 = tpu.memref_slice %arg2[%add3A_187, %dma_wait3A_210] : memref<320000x16xf32, #tpu.memory_space<hbm>> -> memref<2000x16xf32, #tpu.memory_space<hbm>>
      %dma_wait3A_212 = arith.constant 0 : i32
      %dma_wait3A_213 = tpu.memref_slice %arg2[%add3A_187, %dma_wait3A_212] : memref<320000x16xf32, #tpu.memory_space<hbm>> -> memref<2000x16xf32, #tpu.memory_space<hbm>>
      tpu.wait_dma2 semaphore(%run_scoped3A_206 : memref<!tpu.dma_semaphore, #tpu.memory_space<semaphore_mem>>) src(%dma_wait3A_213 : memref<2000x16xf32, #tpu.memory_space<hbm>>) dst(%arg10 : memref<2000x16xf32, #tpu.memory_space<vmem>>)
      tpu.yield
    }) : () -> ()
    %dma_wait3A_188 = arith.constant 0 : i32
    %dma_wait3A_189 = arith.constant 0 : i32
    %dma_wait3A_190 = tpu.memref_slice %arg2[%dma_wait3A_188, %dma_wait3A_189] : memref<320000x16xf32, #tpu.memory_space<hbm>> -> memref<2125x16xf32, #tpu.memory_space<hbm>>
    %dma_wait3A_191 = arith.constant 0 : i32
    %dma_wait3A_192 = arith.constant 0 : i32
    %dma_wait3A_193 = tpu.memref_slice %arg2[%dma_wait3A_191, %dma_wait3A_192] : memref<320000x16xf32, #tpu.memory_space<hbm>> -> memref<2125x16xf32, #tpu.memory_space<hbm>>
    tpu.wait_dma2 semaphore(%arg16 : memref<!tpu.dma_semaphore, #tpu.memory_space<semaphore_mem>>) src(%dma_wait3A_193 : memref<2125x16xf32, #tpu.memory_space<hbm>>) dst(%arg15 : memref<2125x16xf32, #tpu.memory_space<vmem>>)
    %scan3A_194 = arith.constant 0 : i32
    %scan3A_195 = arith.constant 25 : i32
    %scan3A_196 = arith.addi %scan3A_194, %scan3A_195 : i32
    %scan3A_197 = arith.constant 1 : i32
    scf.for %scan3A_206 = %scan3A_194 to %scan3A_196 step %scan3A_197  : i32 {
      %mul3A_207 = arith.constant 1 : i32
      %mul3A_208 = arith.muli %scan3A_206, %mul3A_207 : i32
      %add3A_209 = arith.constant 0 : i32
      %add3A_210 = arith.addi %add3A_209, %mul3A_208 : i32
      %mul3A_211 = arith.constant 80 : i32
      %mul3A_212 = arith.muli %add3A_210, %mul3A_211 : i32
      %add3A_213 = arith.constant 8000 : i32
      %add3A_214 = arith.addi %add3A_213, %mul3A_212 : i32
      %mul3A_215 = arith.constant 80 : i32
      %mul3A_216 = arith.muli %add3A_210, %mul3A_215 : i32
      %dma_start3A = arith.constant 0 : i32
      %dma_start3A_217 = tpu.memref_slice %arg10[%mul3A_216, %dma_start3A] : memref<2000x16xf32, #tpu.memory_space<vmem>> -> memref<80x16xf32, #tpu.memory_space<vmem>>
      %dma_start3A_218 = tpu.memref_slice %arg13[%add3A_214] : memref<10000xi32, #tpu.memory_space<vmem>> -> memref<80xi32, #tpu.memory_space<vmem>>
      %dma_start3A_219 = arith.constant 0 : i32
      %dma_start3A_220 = arith.constant 0 : i32
      %dma_start3A_221 = tpu.memref_slice %arg8[%dma_start3A_219, %dma_start3A_220] : memref<10240x16xf32, #tpu.memory_space<vmem_shared>> -> memref<10240x16xf32, #tpu.memory_space<vmem_shared>>
      tpu.enqueue_indirect_dma source(%dma_start3A_217 : memref<80x16xf32, #tpu.memory_space<vmem>>) target(%dma_start3A_221 : memref<10240x16xf32, #tpu.memory_space<vmem_shared>>) offsets(%dma_start3A_218 : memref<80xi32, #tpu.memory_space<vmem>>) semaphore(%arg16 : memref<!tpu.dma_semaphore, #tpu.memory_space<semaphore_mem>>) {add = true}
      %dma_start3A_222 = arith.constant 0 : i32
      %dma_start3A_223 = tpu.memref_slice %arg14[%dma_start3A_222] : memref<112xf32, #tpu.memory_space<vmem>> -> memref<80xf32, #tpu.memory_space<vmem>>
      %dma_start3A_224 = tpu.memref_slice %arg13[%add3A_214] : memref<10000xi32, #tpu.memory_space<vmem>> -> memref<80xi32, #tpu.memory_space<vmem>>
      %dma_start3A_225 = arith.constant 0 : i32
      %dma_start3A_226 = tpu.memref_slice %arg9[%dma_start3A_225] : memref<10240xf32, #tpu.memory_space<vmem_shared>> -> memref<10240xf32, #tpu.memory_space<vmem_shared>>
      tpu.enqueue_indirect_dma source(%dma_start3A_223 : memref<80xf32, #tpu.memory_space<vmem>>) target(%dma_start3A_226 : memref<10240xf32, #tpu.memory_space<vmem_shared>>) offsets(%dma_start3A_224 : memref<80xi32, #tpu.memory_space<vmem>>) semaphore(%arg16 : memref<!tpu.dma_semaphore, #tpu.memory_space<semaphore_mem>>) {add = true}
    }
    %scan3A_198 = arith.constant 25 : i32
    %dma_wait3A_199 = arith.constant 0 : i32
    %dma_wait3A_200 = arith.constant 0 : i32
    %dma_wait3A_201 = tpu.memref_slice %arg2[%dma_wait3A_199, %dma_wait3A_200] : memref<320000x16xf32, #tpu.memory_space<hbm>> -> memref<2125x16xf32, #tpu.memory_space<hbm>>
    %dma_wait3A_202 = arith.constant 0 : i32
    %dma_wait3A_203 = arith.constant 0 : i32
    %dma_wait3A_204 = tpu.memref_slice %arg2[%dma_wait3A_202, %dma_wait3A_203] : memref<320000x16xf32, #tpu.memory_space<hbm>> -> memref<2125x16xf32, #tpu.memory_space<hbm>>
    tpu.wait_dma2 semaphore(%arg16 : memref<!tpu.dma_semaphore, #tpu.memory_space<semaphore_mem>>) src(%dma_wait3A_204 : memref<2125x16xf32, #tpu.memory_space<hbm>>) dst(%arg15 : memref<2125x16xf32, #tpu.memory_space<vmem>>)
    %barrier3A_205 = arith.constant 0 : index
    tpu.barrier barrier_id(%barrier3A_205)
    "tpu.region"() ({
      %run_scoped3A_206 = tpu.sem_alloc : memref<!tpu.dma_semaphore, #tpu.memory_space<semaphore_mem>>
      %dma_start3A = arith.constant 0 : i32
      %dma_start3A_207 = tpu.memref_slice %arg6[%arg0, %mul3A_32, %dma_start3A] : memref<2x10240x16xf32, #tpu.memory_space<hbm>> -> memref<1x640x16xf32, #tpu.memory_space<hbm>>
      %dma_start3A_208 = tpu.memref_squeeze %dma_start3A_207 : memref<1x640x16xf32, #tpu.memory_space<hbm>> -> memref<640x16xf32, #tpu.memory_space<hbm>>
      %dma_start3A_209 = arith.constant 0 : i32
      %dma_start3A_210 = tpu.memref_slice %arg8[%mul3A_32, %dma_start3A_209] : memref<10240x16xf32, #tpu.memory_space<vmem_shared>> -> memref<640x16xf32, #tpu.memory_space<vmem_shared>>
      tpu.enqueue_dma source(%dma_start3A_210 : memref<640x16xf32, #tpu.memory_space<vmem_shared>>) target(%dma_start3A_208 : memref<640x16xf32, #tpu.memory_space<hbm>>) target_semaphore(%run_scoped3A_206 : memref<!tpu.dma_semaphore, #tpu.memory_space<semaphore_mem>>)
      %dma_wait3A_211 = arith.constant 0 : i32
      %dma_wait3A_212 = tpu.memref_slice %arg6[%arg0, %mul3A_32, %dma_wait3A_211] : memref<2x10240x16xf32, #tpu.memory_space<hbm>> -> memref<1x640x16xf32, #tpu.memory_space<hbm>>
      %dma_wait3A_213 = tpu.memref_squeeze %dma_wait3A_212 : memref<1x640x16xf32, #tpu.memory_space<hbm>> -> memref<640x16xf32, #tpu.memory_space<hbm>>
      %dma_wait3A_214 = arith.constant 0 : i32
      %dma_wait3A_215 = tpu.memref_slice %arg8[%mul3A_32, %dma_wait3A_214] : memref<10240x16xf32, #tpu.memory_space<vmem_shared>> -> memref<640x16xf32, #tpu.memory_space<vmem_shared>>
      tpu.wait_dma2 semaphore(%run_scoped3A_206 : memref<!tpu.dma_semaphore, #tpu.memory_space<semaphore_mem>>) src(%dma_wait3A_215 : memref<640x16xf32, #tpu.memory_space<vmem_shared>>) dst(%dma_wait3A_213 : memref<640x16xf32, #tpu.memory_space<hbm>>)
      tpu.yield
    }) : () -> ()
    "tpu.region"() ({
      %run_scoped3A_206 = tpu.sem_alloc : memref<!tpu.dma_semaphore, #tpu.memory_space<semaphore_mem>>
      %dma_start3A = tpu.memref_slice %arg7[%arg0, %mul3A_32] : memref<2x10240xf32, #tpu.memory_space<hbm>> -> memref<1x640xf32, #tpu.memory_space<hbm>>
      %dma_start3A_207 = tpu.memref_squeeze %dma_start3A : memref<1x640xf32, #tpu.memory_space<hbm>> -> memref<640xf32, #tpu.memory_space<hbm>>
      %dma_start3A_208 = tpu.memref_slice %arg9[%mul3A_32] : memref<10240xf32, #tpu.memory_space<vmem_shared>> -> memref<640xf32, #tpu.memory_space<vmem_shared>>
      tpu.enqueue_dma source(%dma_start3A_208 : memref<640xf32, #tpu.memory_space<vmem_shared>>) target(%dma_start3A_207 : memref<640xf32, #tpu.memory_space<hbm>>) target_semaphore(%run_scoped3A_206 : memref<!tpu.dma_semaphore, #tpu.memory_space<semaphore_mem>>)
      %dma_wait3A_209 = tpu.memref_slice %arg7[%arg0, %mul3A_32] : memref<2x10240xf32, #tpu.memory_space<hbm>> -> memref<1x640xf32, #tpu.memory_space<hbm>>
      %dma_wait3A_210 = tpu.memref_squeeze %dma_wait3A_209 : memref<1x640xf32, #tpu.memory_space<hbm>> -> memref<640xf32, #tpu.memory_space<hbm>>
      %dma_wait3A_211 = tpu.memref_slice %arg9[%mul3A_32] : memref<10240xf32, #tpu.memory_space<vmem_shared>> -> memref<640xf32, #tpu.memory_space<vmem_shared>>
      tpu.wait_dma2 semaphore(%run_scoped3A_206 : memref<!tpu.dma_semaphore, #tpu.memory_space<semaphore_mem>>) src(%dma_wait3A_211 : memref<640xf32, #tpu.memory_space<vmem_shared>>) dst(%dma_wait3A_210 : memref<640xf32, #tpu.memory_space<hbm>>)
      tpu.yield
    }) : () -> ()
    return
  }
}

module attributes {stable_mosaic.version = 14 : i64} {
  func.func @_tr_body(%arg0: i32, %arg1: memref<16x80000xf32, #tpu.memory_space<vmem>>, %arg2: memref<10000x128xf32, #tpu.memory_space<vmem>>) attributes {dimension_semantics = [#tpu.dimension_semantics<arbitrary>], iteration_bounds = array<i64: 4>, scalar_prefetch = 0 : i64, scratch_operands = 0 : i64, tpu.core_type = #tpu.core_type<tc>, window_params = [{transform_indices = @transform_0, window_bounds = array<i64: 16, 80000>}, {transform_indices = @transform_1, window_bounds = array<i64: 10000, 128>}]} {
    %get3A = arith.constant 0 : index
    %get3A_0 = arith.constant 0 : index
    %get3A_1 = vector.load %arg1[%get3A, %get3A_0] : memref<16x80000xf32, #tpu.memory_space<vmem>>, vector<16x80000xf32>
    %slice3A = vector.extract_strided_slice %get3A_1 {offsets = [0, 0], sizes = [16, 10000], strides = [1, 1]} : vector<16x80000xf32> to vector<16x10000xf32>
    %slice3A_2 = vector.extract_strided_slice %get3A_1 {offsets = [0, 10000], sizes = [16, 10000], strides = [1, 1]} : vector<16x80000xf32> to vector<16x10000xf32>
    %slice3A_3 = vector.extract_strided_slice %get3A_1 {offsets = [0, 20000], sizes = [16, 10000], strides = [1, 1]} : vector<16x80000xf32> to vector<16x10000xf32>
    %slice3A_4 = vector.extract_strided_slice %get3A_1 {offsets = [0, 30000], sizes = [16, 10000], strides = [1, 1]} : vector<16x80000xf32> to vector<16x10000xf32>
    %slice3A_5 = vector.extract_strided_slice %get3A_1 {offsets = [0, 40000], sizes = [16, 10000], strides = [1, 1]} : vector<16x80000xf32> to vector<16x10000xf32>
    %slice3A_6 = vector.extract_strided_slice %get3A_1 {offsets = [0, 50000], sizes = [16, 10000], strides = [1, 1]} : vector<16x80000xf32> to vector<16x10000xf32>
    %slice3A_7 = vector.extract_strided_slice %get3A_1 {offsets = [0, 60000], sizes = [16, 10000], strides = [1, 1]} : vector<16x80000xf32> to vector<16x10000xf32>
    %slice3A_8 = vector.extract_strided_slice %get3A_1 {offsets = [0, 70000], sizes = [16, 10000], strides = [1, 1]} : vector<16x80000xf32> to vector<16x10000xf32>
    %concatenate3A = tpu.concatenate %slice3A, %slice3A_2, %slice3A_3, %slice3A_4, %slice3A_5, %slice3A_6, %slice3A_7, %slice3A_8 in 0 : vector<16x10000xf32>, vector<16x10000xf32>, vector<16x10000xf32>, vector<16x10000xf32>, vector<16x10000xf32>, vector<16x10000xf32>, vector<16x10000xf32>, vector<16x10000xf32> -> vector<128x10000xf32>
    %transpose3A = tpu.transpose %concatenate3A, [1, 0] : vector<128x10000xf32> -> vector<10000x128xf32>
    %swap3A = arith.constant 0 : index
    %swap3A_9 = arith.constant 0 : index
    %swap3A_10 = vector.load %arg2[%swap3A, %swap3A_9] : memref<10000x128xf32, #tpu.memory_space<vmem>>, vector<10000x128xf32>
    tpu.vector_store %arg2[%swap3A, %swap3A_9], %transpose3A {strides = array<i32>} : memref<10000x128xf32, #tpu.memory_space<vmem>>, vector<10000x128xf32>,
    return
  }
  func.func @transform_0(%arg0: i32) -> (i32, i32) {
    %c0_i32 = arith.constant 0 : i32
    %c0_i32_0 = arith.constant 0 : i32
    return %c0_i32, %arg0 : i32, i32
  }
  func.func @transform_1(%arg0: i32) -> (i32, i32) {
    %c0_i32 = arith.constant 0 : i32
    %c0_i32_0 = arith.constant 0 : i32
    return %arg0, %c0_i32 : i32, i32
  }
}

module attributes {stable_mosaic.version = 14 : i64} {
  func.func @_nfw_body(%arg0: i32, %arg1: memref<1000x128xf32, #tpu.memory_space<vmem>>, %arg2: memref<128x128xf32, #tpu.memory_space<vmem>>, %arg3: memref<1x128xf32, #tpu.memory_space<vmem>>, %arg4: memref<1000x128xf32, #tpu.memory_space<vmem>>) attributes {dimension_semantics = [#tpu.dimension_semantics<arbitrary>], iteration_bounds = array<i64: 10>, scalar_prefetch = 0 : i64, scratch_operands = 0 : i64, tpu.core_type = #tpu.core_type<tc>, window_params = [{transform_indices = @transform_0, window_bounds = array<i64: 1000, 128>}, {pipeline_mode = #tpu.pipeline_mode<synchronous>, transform_indices = @transform_1, window_bounds = array<i64: 128, 128>}, {pipeline_mode = #tpu.pipeline_mode<synchronous>, transform_indices = @transform_2, window_bounds = array<i64: 1, 128>}, {transform_indices = @transform_3, window_bounds = array<i64: 1000, 128>}]} {
    %get3A = arith.constant 0 : index
    %get3A_0 = arith.constant 0 : index
    %get3A_1 = vector.load %arg1[%get3A, %get3A_0] : memref<1000x128xf32, #tpu.memory_space<vmem>>, vector<1000x128xf32>
    %get3A_2 = arith.constant 0 : index
    %get3A_3 = arith.constant 0 : index
    %get3A_4 = vector.load %arg2[%get3A_2, %get3A_3] : memref<128x128xf32, #tpu.memory_space<vmem>>, vector<128x128xf32>
    %dot_general3A = arith.constant dense<0.000000e+00> : vector<1000x128xf32>
    %dot_general3A_5 = tpu.matmul %get3A_1, %get3A_4, %dot_general3A {dimension_numbers = #tpu.dot_dimension_numbers<[1], [0], [0], [1], [0, 0, 1, 1], [], []>, transpose_lhs_hint = false} : vector<1000x128xf32>, vector<128x128xf32>, vector<1000x128xf32> -> vector<1000x128xf32>
    %get3A_6 = arith.constant 0 : index
    %get3A_7 = arith.constant 0 : index
    %get3A_8 = vector.load %arg3[%get3A_6, %get3A_7] : memref<1x128xf32, #tpu.memory_space<vmem>>, vector<1x128xf32>
    %add3A = vector.broadcast %get3A_8 : vector<1x128xf32> to vector<1000x128xf32>
    %add3A_9 = arith.addf %dot_general3A_5, %add3A : vector<1000x128xf32>
    %swap3A = arith.constant 0 : index
    %swap3A_10 = arith.constant 0 : index
    %swap3A_11 = vector.load %arg4[%swap3A, %swap3A_10] : memref<1000x128xf32, #tpu.memory_space<vmem>>, vector<1000x128xf32>
    tpu.vector_store %arg4[%swap3A, %swap3A_10], %add3A_9 {strides = array<i32>} : memref<1000x128xf32, #tpu.memory_space<vmem>>, vector<1000x128xf32>,
    return
  }
  func.func @transform_0(%arg0: i32) -> (i32, i32) {
    %c0_i32 = arith.constant 0 : i32
    %c0_i32_0 = arith.constant 0 : i32
    return %arg0, %c0_i32 : i32, i32
  }
  func.func @transform_1(%arg0: i32) -> (i32, i32) {
    %c0_i32 = arith.constant 0 : i32
    %c0_i32_0 = arith.constant 0 : i32
    %c0_i32_1 = arith.constant 0 : i32
    return %c0_i32, %c0_i32_0 : i32, i32
  }
  func.func @transform_2(%arg0: i32) -> (i32, i32) {
    %c0_i32 = arith.constant 0 : i32
    %c0_i32_0 = arith.constant 0 : i32
    %c0_i32_1 = arith.constant 0 : i32
    return %c0_i32, %c0_i32_0 : i32, i32
  }
  func.func @transform_3(%arg0: i32) -> (i32, i32) {
    %c0_i32 = arith.constant 0 : i32
    %c0_i32_0 = arith.constant 0 : i32
    return %arg0, %c0_i32 : i32, i32
  }
}

module attributes {stable_mosaic.version = 14 : i64} {
  func.func @_mix_body(%arg0: i32, %arg1: memref<1000x128xf32, #tpu.memory_space<vmem>>, %arg2: memref<2x1000x16xf32, #tpu.memory_space<vmem>>, %arg3: memref<2x1000x1xf32, #tpu.memory_space<vmem>>, %arg4: memref<16x128xf32, #tpu.memory_space<vmem>>, %arg5: memref<1000x128xf32, #tpu.memory_space<vmem>>) attributes {dimension_semantics = [#tpu.dimension_semantics<arbitrary>], iteration_bounds = array<i64: 10>, scalar_prefetch = 0 : i64, scratch_operands = 0 : i64, tpu.core_type = #tpu.core_type<tc>, window_params = [{transform_indices = @transform_0, window_bounds = array<i64: 1000, 128>}, {transform_indices = @transform_1, window_bounds = array<i64: 2, 1000, 16>}, {transform_indices = @transform_2, window_bounds = array<i64: 2, 1000, 1>}, {pipeline_mode = #tpu.pipeline_mode<synchronous>, transform_indices = @transform_3, window_bounds = array<i64: 16, 128>}, {transform_indices = @transform_4, window_bounds = array<i64: 1000, 128>}]} {
    %get3A = arith.constant 0 : index
    %get3A_0 = arith.constant 0 : index
    %get3A_1 = arith.constant 0 : index
    %get3A_2 = vector.load %arg2[%get3A, %get3A_0, %get3A_1] : memref<2x1000x16xf32, #tpu.memory_space<vmem>>, vector<1x1000x16xf32>
    %get3A_3 = vector.shape_cast %get3A_2 : vector<1x1000x16xf32> to vector<1000x16xf32>
    %get3A_4 = arith.constant 1 : index
    %get3A_5 = arith.constant 0 : index
    %get3A_6 = arith.constant 0 : index
    %get3A_7 = vector.load %arg2[%get3A_4, %get3A_5, %get3A_6] : memref<2x1000x16xf32, #tpu.memory_space<vmem>>, vector<1x1000x16xf32>
    %get3A_8 = vector.shape_cast %get3A_7 : vector<1x1000x16xf32> to vector<1000x16xf32>
    %add3A = arith.addf %get3A_3, %get3A_8 : vector<1000x16xf32>
    %get3A_9 = arith.constant 0 : index
    %get3A_10 = arith.constant 0 : index
    %get3A_11 = arith.constant 0 : index
    %get3A_12 = vector.load %arg3[%get3A_9, %get3A_10, %get3A_11] : memref<2x1000x1xf32, #tpu.memory_space<vmem>>, vector<1x1000x1xf32>
    %get3A_13 = vector.shape_cast %get3A_12 : vector<1x1000x1xf32> to vector<1000x1xf32>
    %get3A_14 = arith.constant 1 : index
    %get3A_15 = arith.constant 0 : index
    %get3A_16 = arith.constant 0 : index
    %get3A_17 = vector.load %arg3[%get3A_14, %get3A_15, %get3A_16] : memref<2x1000x1xf32, #tpu.memory_space<vmem>>, vector<1x1000x1xf32>
    %get3A_18 = vector.shape_cast %get3A_17 : vector<1x1000x1xf32> to vector<1000x1xf32>
    %add3A_19 = arith.addf %get3A_13, %get3A_18 : vector<1000x1xf32>
    %max3A = arith.constant 1.000000e+00 : f32
    %max3A_20 = vector.broadcast %max3A : f32 to vector<1000x1xf32>
    %max3A_21 = arith.maximumf %add3A_19, %max3A_20 : vector<1000x1xf32>
    %div3A = vector.broadcast %max3A_21 : vector<1000x1xf32> to vector<1000x16xf32>
    %div3A_22 = arith.divf %add3A, %div3A : vector<1000x16xf32>
    %get3A_23 = arith.constant 0 : index
    %get3A_24 = arith.constant 0 : index
    %get3A_25 = vector.load %arg1[%get3A_23, %get3A_24] : memref<1000x128xf32, #tpu.memory_space<vmem>>, vector<1000x128xf32>
    %get3A_26 = arith.constant 0 : index
    %get3A_27 = arith.constant 0 : index
    %get3A_28 = vector.load %arg4[%get3A_26, %get3A_27] : memref<16x128xf32, #tpu.memory_space<vmem>>, vector<16x128xf32>
    %dot_general3A = arith.constant dense<0.000000e+00> : vector<1000x128xf32>
    %dot_general3A_29 = tpu.matmul %div3A_22, %get3A_28, %dot_general3A {dimension_numbers = #tpu.dot_dimension_numbers<[1], [0], [0], [1], [0, 0, 1, 1], [], []>, transpose_lhs_hint = false} : vector<1000x16xf32>, vector<16x128xf32>, vector<1000x128xf32> -> vector<1000x128xf32>
    %add3A_30 = arith.addf %get3A_25, %dot_general3A_29 : vector<1000x128xf32>
    %max3A_31 = arith.constant 0.000000e+00 : f32
    %max3A_32 = vector.broadcast %max3A_31 : f32 to vector<1000x128xf32>
    %max3A_33 = arith.maximumf %add3A_30, %max3A_32 : vector<1000x128xf32>
    %swap3A = arith.constant 0 : index
    %swap3A_34 = arith.constant 0 : index
    %swap3A_35 = vector.load %arg5[%swap3A, %swap3A_34] : memref<1000x128xf32, #tpu.memory_space<vmem>>, vector<1000x128xf32>
    tpu.vector_store %arg5[%swap3A, %swap3A_34], %max3A_33 {strides = array<i32>} : memref<1000x128xf32, #tpu.memory_space<vmem>>, vector<1000x128xf32>,
    return
  }
  func.func @transform_0(%arg0: i32) -> (i32, i32) {
    %c0_i32 = arith.constant 0 : i32
    %c0_i32_0 = arith.constant 0 : i32
    return %arg0, %c0_i32 : i32, i32
  }
  func.func @transform_1(%arg0: i32) -> (i32, i32, i32) {
    %c0_i32 = arith.constant 0 : i32
    %c0_i32_0 = arith.constant 0 : i32
    %c0_i32_1 = arith.constant 0 : i32
    return %c0_i32, %arg0, %c0_i32_0 : i32, i32, i32
  }
  func.func @transform_2(%arg0: i32) -> (i32, i32, i32) {
    %c0_i32 = arith.constant 0 : i32
    %c0_i32_0 = arith.constant 0 : i32
    %c0_i32_1 = arith.constant 0 : i32
    return %c0_i32, %arg0, %c0_i32_0 : i32, i32, i32
  }
  func.func @transform_3(%arg0: i32) -> (i32, i32) {
    %c0_i32 = arith.constant 0 : i32
    %c0_i32_0 = arith.constant 0 : i32
    %c0_i32_1 = arith.constant 0 : i32
    return %c0_i32, %c0_i32_0 : i32, i32
  }
  func.func @transform_4(%arg0: i32) -> (i32, i32) {
    %c0_i32 = arith.constant 0 : i32
    %c0_i32_0 = arith.constant 0 : i32
    return %arg0, %c0_i32 : i32, i32
  }
}

</mosaic_0001>

<sc_bundles>
// kernel: kernel.6.cloned.1.call-start
scs
__scs_entry_jumppad:
0x0: {  	(pc) =	sbr.rel $0x88, $3  }
0x1: {  	(tag) =	ssettag $0x0;
	lr =	simm.s32 $0x1  }
0x2: {  	[smem:$0x3F9C] =	sst lr;
	_ =	strace $0xD0000000  }
0x3: {  	_ = 	snop  }
0x4: {  	_ = 	snop  }
0x5: {  	_ = 	snop  }
0x6: {  	_ = 	snop  }
0x7: {  	_ = 	snop  }
__scs_overlays_trampoline_lowered:
0x8: {  	[smem:$0x3FAB] =	sst s0  }
0x9: {  	[smem:$0x3FAC] =	sst s1  }
0xa: {  	[smem:$0x3FAD] =	sst s2  }
0xb: {  	[smem:$0x3FAE] =	sst s3  }
0xc: {  	[smem:$0x3FAF] =	sst s4  }
0xd: {  	[smem:$0x3FB0] =	sst s5  }
0xe: {  	[smem:$0x3FB1] =	sst s6  }
0xf: {  	[smem:$0x3FB2] =	sst s7  }
0x10: {  	[smem:$0x3FB3] =	sst s8  }
0x11: {  	[smem:$0x3FB4] =	sst s9;
	s0 =	simm.s32 @!p0 $0x0  }
0x12: {  	s1 =	sld [smem:$0x3F9A];
	s0 =	simm.s32 @p0 $0x1  }
0x13: {  	[smem:$0x3FB5] =	sst s0;
	s0 =	simm.s32 @!p1 $0x0  }
0x14: {  	s2 =	sld [smem:$0x3F99];
	s0 =	simm.s32 @p1 $0x1  }
0x15: {  	[smem:$0x3FB6] =	sst s0;
	s0 =	simm.s32 @!p2 $0x0  }
0x16: {  	s3 =	sld [smem:$0x3FDB];
	s0 =	simm.s32 @p2 $0x1  }
0x17: {  	s4 =	simm.s32 $0x1BF5;
	[smem:$0x3FB8] =	sst s0  }
0x18: {  	s0 =	sld [smem:$0x3F9B];
	_ =	swait.ge [sflag:s4], $0x0  }
0x19: {  	s7 =	sld [smem:$0x3F9C]  }
0x1a: {  	s8 =	sadd.s32 $0xFFFFE003, lr  }
0x1b: {  	s9 =	sadd.s32 $0xFFFFFEF7, lr;
	s5 =	simm.s32 $0xFFFFFFFF;
	p2 =	slt.u32 s8, $0xFFFFF086  }
0x1c: {  	p1 =	slt.u32 s9, $0xF7A;
	s5 =	simm.s32 @!p2 $0x0  }
0x1d: {  	s5 =	simm.s32 @p1 $0x1;
	p0 =	seq.s32 s7, s2  }
0x1e: {  	s7 =	smul.u32 @!p0 $0xF7A, s2;
	p2 =	seq.s32 @!p0 s5, $0x0  }
0x1f: {  	s9 =	smul.u32 $0xF7A, s1;
	s8 =	simm.s32 @!p0 $0x1BF5;
	p2 =	por !p2, p0  }
0x20: {  	[sflag:s8] =	ssyncset.s32 @!p0 $0xFFFFF086;
	s6 =	sadd.s32 @!p0 s3, s7;
	s7 =	simm.s32 @!p0 $0x108  }
0x21: {  	s3 =	sadd.s32 s3, s9;
	s6 =	sadd.s32 @!p0 $0x88, s6;
	s7 =	simm.s32 @p2 $0x1082  }
0x22: {  	[simem:s7], [sflag:s8] =	dma.local @!p0 [hbm:s6], $0xF7A  }
0x23: {  	s9 =	sor.u32 $0xD0000000, s2;
	s6 =	simm.s32 $0x108;
	_ =	swait.ge @!p0 [sflag:s8], $0x0  }
0x24: {  	s3 =	sadd.s32 $0x88, s3;
	s6 =	simm.s32 @!p1 $0x1082;
	[sflag:s4] =	ssyncset.s32 $0xFFFFF086  }
0x25: {  	[simem:s6], [sflag:s4] =	dma.local [hbm:s3], $0xF7A  }
0x26: {  	[smem:$0x3F9C] =	sst s1;
	(tag) =	ssettag s2;
	_ =	strace s9  }
0x27: {  	s1 =	sld [smem:$0x3FAC]  }
0x28: {  	s2 =	sld [smem:$0x3FAD]  }
0x29: {  	s4 =	sld [smem:$0x3FAF]  }
0x2a: {  	p0 =	seq.s32 s5, $0x0;
	s5 =	sld [smem:$0x3FB0]  }
0x2b: {  	s6 =	sld [smem:$0x3FB1]  }
0x2c: {  	s7 =	sld [smem:$0x3FB2]  }
0x2d: {  	s3 =	simm.s32 $0x108;
	s8 =	sld [smem:$0x3FB3]  }
0x2e: {  	s3 =	simm.s32 @!p0 $0x1082;
	s9 =	sld [smem:$0x3FB4]  }
0x2f: {  	lr =	sadd.s32 s0, s3;
	s0 =	sld [smem:$0x3FAB]  }
0x30: {  	s3 =	sld [smem:$0x3FAE]  }
0x31: {  	[smem:$0x3FB7] =	sst s10  }
0x32: {  	s10 =	sld [smem:$0x3FB5];
	_ =	sdelay $0x3  }
0x33: {  	p0 =	seq.s32 s10, $0x1;
	s10 =	sld [smem:$0x3FB7];
	_ =	sdelay $0x3  }
0x34: {  	[smem:$0x3FB7] =	sst s10  }
0x35: {  	s10 =	sld [smem:$0x3FB6];
	_ =	sdelay $0x3  }
0x36: {  	p1 =	seq.s32 s10, $0x1;
	s10 =	sld [smem:$0x3FB7];
	_ =	sdelay $0x3  }
0x37: {  	[smem:$0x3FB7] =	sst s10  }
0x38: {  	s10 =	sld [smem:$0x3FB8]  }
0x39: {  	_ = 	snop;
	(pc) =	sbr.ind lr, $3  }
0x3a: {  	_ = 	snop  }
0x3b: {  	_ = 	snop  }
0x3c: {  	p2 =	seq.s32 s10, $0x1;
	s10 =	sld [smem:$0x3FB7]  }
0x3d: {  	_ =	shalt  }
0x3e: {  	_ =	shalt  }
0x3f: {  	_ =	shalt  }
0x40: {  	_ =	shalt  }
0x41: {  	_ =	shalt  }
0x42: {  	_ =	shalt  }
0x43: {  	_ =	shalt  }
0x44: {  	_ =	shalt  }
0x45: {  	_ =	shalt  }
0x46: {  	_ =	shalt  }
0x47: {  	_ =	shalt  }
0x48: {  	_ =	shalt  }
0x49: {  	_ =	shalt  }
0x4a: {  	_ =	shalt  }
0x4b: {  	_ =	shalt  }
0x4c: {  	_ =	shalt  }
0x4d: {  	_ =	shalt  }
0x4e: {  	_ =	shalt  }
0x4f: {  	_ =	shalt  }
0x50: {  	_ =	shalt  }
0x51: {  	_ =	shalt  }
0x52: {  	_ =	shalt  }
0x53: {  	_ =	shalt  }
0x54: {  	_ =	shalt  }
0x55: {  	_ =	shalt  }
0x56: {  	_ =	shalt  }
0x57: {  	_ =	shalt  }
0x58: {  	_ =	shalt  }
0x59: {  	_ =	shalt  }
0x5a: {  	_ =	shalt  }
0x5b: {  	_ =	shalt  }
0x5c: {  	_ =	shalt  }
0x5d: {  	_ =	shalt  }
0x5e: {  	_ =	shalt  }
0x5f: {  	_ =	shalt  }
0x60: {  	_ =	shalt  }
0x61: {  	_ =	shalt  }
0x62: {  	_ =	shalt  }
0x63: {  	_ =	shalt  }
0x64: {  	_ =	shalt  }
0x65: {  	_ =	shalt  }
0x66: {  	_ =	shalt  }
0x67: {  	_ =	shalt  }
0x68: {  	_ =	shalt  }
0x69: {  	_ =	shalt  }
0x6a: {  	_ =	shalt  }
0x6b: {  	_ =	shalt  }
0x6c: {  	_ =	shalt  }
0x6d: {  	_ =	shalt  }
0x6e: {  	_ =	shalt  }
0x6f: {  	_ =	shalt  }
0x70: {  	_ =	shalt  }
0x71: {  	_ =	shalt  }
0x72: {  	_ =	shalt  }
0x73: {  	_ =	shalt  }
0x74: {  	_ =	shalt  }
0x75: {  	_ =	shalt  }
0x76: {  	_ =	shalt  }
0x77: {  	_ =	shalt  }
0x78: {  	_ =	shalt  }
0x79: {  	_ =	shalt  }
0x7a: {  	_ =	shalt  }
0x7b: {  	_ =	shalt  }
0x7c: {  	_ =	shalt  }
0x7d: {  	_ =	shalt  }
0x7e: {  	_ =	shalt  }
0x7f: {  	_ =	shalt  }
0x80: {  	_ =	shalt  }
0x81: {  	_ =	shalt  }
0x82: {  	_ =	shalt  }
0x83: {  	_ =	shalt  }
0x84: {  	_ =	shalt  }
0x85: {  	_ =	shalt  }
0x86: {  	_ =	shalt  }
0x87: {  	_ =	shalt  }
.Lfunc_end0:
.L_simem_size_0:
called_computation_lowered:
.L_overlay_start_0:
0x88: {  	s2 =	sld [smem:$0x3FD9]  }
0x89: {  	s3 =	sld [smem:$0x3FFE];
	_ =	sdelay $0x1  }
0x8a: {  	s1 =	srdreg.scid  }
0x8b: {  	s0 =	sand.u32 $0x1, s1  }
0x8c: {  	s17 =	sshll.u32 s0, $0xA;
	s2 =	sadd.s32 s3, s2  }
0x8d: {  	s2 =	sadd.s32 s2, s17  }
0x8e: {  	[smem:$0x3FC3] =	sst s2  }
0x8f: {  	_ = 	snop  }
0x90: {  	s2 =	sld [smem:$0x3FD0];
	(tm) =	ssettm $0x1  }
0x91: {  	s18 =	sld [smem:$0x3FFB];
	_ =	sdelay $0x3  }
0x92: {  	_ =	strace s18  }
0x93: {  	s3 =	sld [smem:$0x3FFC];
	_ =	sdelay $0x3  }
0x94: {  	_ =	strace s3  }
0x95: {  	s3 =	sld [smem:$0x3FFD];
	_ =	sdelay $0x3  }
0x96: {  	_ =	strace s3  }
0x97: {  	_ =	strace $0x8FFFFFFF  }
0x98: {  	s19 =	sld [smem:$0x3FDB];
	_ =	sdelay $0x1  }
0x99: {  	s4 =	simm.s32 $_scs_section_size  }
0x9a: {  	s5 =	simm.s32 $_size__tile_overlayer_lowered;
	s6 =	simm.s32 $_tile_overlayer_lowered  }
0x9b: {  	s22 =	simm.s32 $0x1BFF;
	s21 =	sshll.u32 s6, $0x1;
	s3 =	sadd.s32 s4, s19  }
0x9c: {  	s7 =	simm.s32 $0x0;
	s20 =	sshll.u32 s5, $0x1;
	s5 =	sadd.s32 s21, s3  }
0x9d: {  	[timem:s7], [sflag:s22] =	dma.local [hbm:s5], s20  }
0x9e: {  	_ =	swait.ge [sflag:s22], s20  }
0x9f: {  	s4 =	ssub.s32 $0x0, s20;
	[sflag:s22] =	ssyncset.done $0x0  }
0xa0: {  	[sflag:s22] =	ssyncadd.s32 s4;
	_ =	sdelay $0x1  }
0xa1: {  	s23 =	simm.s32 $0x1B8B  }
0xa2: {  	_ =	swait.ge [sflag:s23], $0x1  }
0xa3: {  	[sflag:s23] =	ssyncset.done $0x0  }
0xa4: {  	s25 =	simm.s32 $0x1B8E;
	s24 =	sld [smem:$0x3FFE];
	[sflag:s23] =	ssyncadd.s32 $0xFFFFFFFF  }
0xa5: {  	s26 =	simm.s32 $execute0_lowered;
	[smem:$0x3FD2] =	sst s25  }
0xa6: {  	s5 =	sshll.u32 s26, $0x1;
	_ =	strace $0x80000046;
	[dreg:$0x1] =	wrdreg $0xFFFFFFFF  }
0xa7: {  	s28 =	simm.s32 $_size_execute0_lowered;
	s3 =	sadd.s32 s3, s5;
	[dreg:$0x0] =	wrdreg $0x0  }
0xa8: {  	s5 =	sshll.u32 s28, $0x1;
	[dreg:$0x2] =	wrdreg s3  }
0xa9: {  	[dreg:$0x3] =	wrdreg s5  }
0xaa: {  	[dreg:$0x4] =	wrdreg $0xC0  }
0xab: {  	_ =	task [dreg:s7], $0x5FFFF  }
0xac: {  	[dreg:$0x1] =	wrdreg $0xFFFFFFFF  }
0xad: {  	[dreg:$0x0] =	wrdreg $0x60  }
0xae: {  	[dreg:$0x2] =	wrdreg s24  }
0xaf: {  	[dreg:$0x3] =	wrdreg s2  }
0xb0: {  	[dreg:$0x4] =	wrdreg $0x0  }
0xb1: {  	[dreg:$0x5] =	wrdreg $0x28000  }
0xb2: {  	[dreg:$0x6] =	wrdreg $0x9  }
0xb3: {  	_ =	task.clear_ibuf [dreg:s7], $0x7FFFF;
	_ =	strace $0x90000046  }
0xb4: {  	s29 =	simm.s32 $0x9;
	_ =	strace $0x80000048  }
0xb5: {  	_ =	swait.ge [sflag:s29], $0x1  }
0xb6: {  	[sflag:s29] =	ssyncadd.s32 $0xFFFFFFFF  }
0xb7: {  	_ =	strace $0x90000048  }
0xb8: {  	_ =	sfence  }
0xb9: {  	s30 =	sld [smem:$0x0];
	_ =	sdelay $0x2  }
0xba: {  	s31 =	sshll.u32 s1, $0xD;
	s1 =	sshrl.u32 s1, $0x2  }
0xbb: {  	s3 =	sand.u32 $0x4000, s31;
	s1 =	sadd.s32 s1, s30  }
0xbc: {  	s0 =	sor.u32 s3, s0;
	s1 =	sshll.u32 s1, $0x11  }
0xbd: {  	s0 =	sor.u32 s1, s0  }
0xbe: {  	s0 =	sadd.s32 $0x8F2B, s0  }
0xbf: {  	[sflag:s0] =	ssyncadd.remote.s32 $0x1  }
0xc0: {  	_ =	sfence.sel $0xFFFF  }
0xc1: {  	[dreg:$0x0] =	wrdreg $0xFFFFFFFF;
	(pc) =	sbr.abs _section_cstart, $3  }
0xc2: {  	[dreg:$0x1] =	wrdreg $0xFFFFFFFF  }
0xc3: {  	_ =	task.clear_ibuf [dreg:s7], $0x2FFFF;
	_ =	strace $0x9FFFFFFF  }
0xc4: {  	(tm) =	ssettm $0x7FFFFFFF  }
0xc5: {  	_ =	shalt  }
tec
execute0_lowered:
.L_overlay_start_1:
0x0: {  	(tag) =	ssettag $0x1  }
0x1: {  	s1 =	rddreg [dreg:$0x0]  }
0x2: {  	s0 =	rddreg [dreg:$0x1];
	s3 =	srdreg.scid  }
0x3: {  	s2 =	rddreg [dreg:$0x2];
	s15 =	stileid.u32  }
0x4: {  	s12 =	simm.s32 $0x0;
	s28 =	simm.s32 $0x2;
	s29 =	simm.s32 $0x12480  }
0x5: {  	s30 =	simm.s32 $0x50;
	s17 =	sand.u32 $0x1, s3;
	s3 =	rddreg [dreg:$0x3]  }
0x6: {  	s31 =	simm.s32 $0x10B80;
	s7 =	sand.u32 $0x7, s15;
	[smem:$0x7FF] =	sst s12  }
0x7: {  	s8 =	smul.u32 $0x280, s15;
	s9 =	sadd.s32 $0xB200, s1;
	s4 =	sshll.u32 s17, $0x4  }
0x8: {  	s13 =	sadd.s32 $0xA7800, s1;
	s14 =	sadd.s32 $0xA7600, s1;
	s6 =	sor.u32 s15, s4  }
0x9: {  	s19 =	sshll.u32 s15, $0x6;
	p1 =	sne.s32 s7, $0x0;
	p0 =	seq.s32 s6, $0x0  }
0xa: {  	_ =	strace $0x80000047;
	s5 =	smul.u32 $0x2800, s17;
	p0 =	por !p1, !p0  }
0xb: {  	[dreg:$0x5] =	wrdreg s13;
	s4 =	simm.s32 $0x1;
	p0 =	por !p0, !p0  }
0xc: {  	s10 =	sshrl.u32 s6, $0x3;
	s5 =	sadd.s32 s8, s5;
	s4 =	simm.s32 @!p0 $0x0  }
0xd: {  	s7 =	smul.u32 $0x4E8, s7;
	s5 =	sshrl.u32 s5, $0x3;
	s4 =	ssub.s32 s10, s4  }
0xe: {  	s10 =	sadd.s32 $0x1400, s1;
	s1 =	sadd.s32 s5, s1;
	s5 =	smul.u32 $0x2800, s15  }
0xf: {  	s16 =	ssub.s32 $0x2, s17;
	[dreg:$0x6] =	wrdreg s14;
	s4 =	smul.u32 $0x13A00, s4  }
0x10: {  	s17 =	smul.u32 $0x28000, s17;
	s13 =	simm.s32 $0xD980;
	s18 =	sshrl.u32 s16, $0x1  }
0x11: {  	s11 =	ssub.s32 s16, s18;
	s18 =	sadd.s32 s5, s2;
	s7 =	sadd.s32 s7, s4  }
0x12: {  	[dreg:$0xf] =	wrdreg s18;
	s18 =	simm.s32 $0xE880;
	s20 =	sadd.s32 $0x2740, s7  }
0x13: {  	s21 =	sshrl.u32 s7, $0x3;
	s16 =	sadd.s32 $0x4E80, s7;
	s23 =	sadd.s32 $0x75C0, s7  }
0x14: {  	s24 =	sadd.s32 $0x9D00, s7;
	s25 =	sadd.s32 $0xC440, s7;
	s14 =	sshrl.u32 s20, $0x3  }
0x15: {  	s15 =	sadd.s32 s10, s21;
	s22 =	sshrl.u32 s16, $0x3;
	s4 =	sshrl.u32 s25, $0x3  }
0x16: {  	s16 =	smul.u32 $0x27100, s6;
	s25 =	sadd.s32 $0xA7E00, s1;
	[dreg:$0x7] =	wrdreg s15  }
0x17: {  	s6 =	smul.u32 $0x4E20, s6;
	s14 =	sadd.s32 s10, s14;
	[dreg:$0x17] =	wrdreg s25  }
0x18: {  	s15 =	sshrl.u32 s24, $0x3;
	[dreg:$0x8] =	wrdreg s14;
	s14 =	sadd.s32 s10, s22  }
0x19: {  	s26 =	sadd.s32 s10, s15;
	s15 =	sadd.s32 $0xEB80, s7;
	s7 =	sadd.s32 $0x112C0, s7  }
0x1a: {  	s20 =	sshrl.u32 s16, $0x3;
	s6 =	sadd.s32 s9, s6;
	[dreg:$0x9] =	wrdreg s14  }
0x1b: {  	s16 =	simm.s32 $0x2A80;
	s14 =	sshrl.u32 s23, $0x3;
	[dreg:$0xb] =	wrdreg s26  }
0x1c: {  	s7 =	sshrl.u32 s7, $0x3;
	[dreg:$0x11] =	wrdreg s6;
	s21 =	sadd.s32 s9, s20  }
0x1d: {  	s26 =	smax.u32 s11, $0x1;
	s11 =	simm.s32 $0xCF80;
	s20 =	simm.s32 $0xF280  }
0x1e: {  	s6 =	simm.s32 $0x11A80;
	s14 =	sadd.s32 s10, s14;
	[dreg:$0x18] =	wrdreg s26  }
0x1f: {  	s7 =	sadd.s32 s10, s7;
	s22 =	sadd.s32 $0x1F40, s21;
	[dreg:$0xa] =	wrdreg s14  }
0x20: {  	s23 =	sadd.s32 $0x2EE0, s21;
	s24 =	sadd.s32 $0x3E80, s21;
	[dreg:$0xe] =	wrdreg s7  }
0x21: {  	s26 =	simm.s32 $0x1;
	s14 =	sadd.s32 s10, s4;
	[dreg:$0x13] =	wrdreg s22  }
0x22: {  	s4 =	sadd.s32 s5, s17;
	s7 =	sadd.s32 $0xFA0, s21;
	[dreg:$0x15] =	wrdreg s23  }
0x23: {  	[dreg:$0x16] =	wrdreg s24;
	s22 =	simm.s32 $0xF780;
	s24 =	simm.s32 $0x10180  }
0x24: {  	s5 =	simm.s32 $0x11F80;
	[dreg:$0xc] =	wrdreg s14;
	s14 =	sshrl.u32 s15, $0x3  }
0x25: {  	s4 =	sshrl.u32 s4, $0x3;
	[dreg:$0x12] =	wrdreg s7;
	s14 =	sadd.s32 s10, s14  }
0x26: {  	s10 =	sor.u32 $0x1C02, s19;
	s19 =	sadd.s32 s8, s3;
	[dreg:$0xd] =	wrdreg s14  }
0x27: {  	v1 =	vlaneseq.u32;
	s15 =	simm.s32 $0xDE80;
	s0 =	sadd.s32 s0, s4;
	[dreg:$0x10] =	wrdreg s19  }
0x28: {  	v2 =	vand.u32 $0x7, v1;
	s7 =	simm.s32 $0x11580;
	s8 =	simm.s32 $0x11080;
	[dreg:$0x14] =	wrdreg s0  }
0x29: {  	v0 =	vimm.f32 $1.000000000e+00;
	v1 =	vshrl.u32 v1, $0x3;
	v2 =	vmul.u32 $0x4E8, v2;
	s0 =	simm.s32 $0x172D0;
	s14 =	simm.s32 $0x0;
	[dreg:$0x19] =	wrdreg s10  }
.LBB2_1:
0x2a: {  	s17 =	rddreg [dreg:$0xf]  }
0x2b: {  	s19 =	rddreg [dreg:$0x5];
	s1 =	sshrl.u32 s17, $0x3  }
0x2c: {  	[dreg:$0x1a] =	wrdreg s1  }
0x2d: {  	[spmem:s1], [sflag:s10] =	dma.local [hbm:s19], $0x500  }
0x2e: {  	_ =	swait.ge [sflag:s28], $0x500  }
0x2f: {  	s4 =	rddreg [dreg:$0x10]  }
0x30: {  	[sflag:s28] =	ssyncset.done $0x0;
	s21 =	rddreg [dreg:$0x6];
	s9 =	sshrl.u32 s4, $0x3  }
0x31: {  	[sflag:s28] =	ssyncadd.s32 $0xFFFFFB00;
	[dreg:$0x1b] =	wrdreg s9  }
0x32: {  	[spmem:s9], [sflag:s10] =	dma.local [hbm:s21], $0x50  }
0x33: {  	_ =	swait.ge [sflag:s28], $0x50  }
0x34: {  	[sflag:s28] =	ssyncset.done $0x0  }
0x35: {  	[sflag:s28] =	ssyncadd.s32 $0xFFFFFFB0  }
0x36: {  	[tilespmem:$0x172D0] =	vst v0  }
0x37: {  	[tilespmem:$0x172E0] =	vst v0  }
0x38: {  	[tilespmem:$0x172F0] =	vst v0  }
0x39: {  	[tilespmem:$0x17300] =	vst v0  }
0x3a: {  	[tilespmem:$0x17310] =	vst v0  }
0x3b: {  	[tilespmem:$0x17320] =	vst v0  }
0x3c: {  	s17 =	rddreg [dreg:$0x7];
	[tilespmem:$0x17330] =	vst v0  }
0x3d: {  	[tilespmem:s29], [sflag:$0x2] =	stream.linear.gather [hbm4b:s17+s12], $0x4E8, $0x38;
	[tilespmem:$0x17340] =	vst v63  }
0x3e: {  	_ =	swait.ge [sflag:s28], $0x4E8  }
0x3f: {  	[sflag:s28] =	ssyncset.done $0x0  }
0x40: {  	s23 =	simm.s32 $0x12968;
	s19 =	rddreg [dreg:$0x8];
	[sflag:s28] =	ssyncadd.s32 $0xFFFFFB18  }
0x41: {  	[tilespmem:s23], [sflag:$0x2] =	stream.linear.gather [hbm4b:s19+s12], $0x4E8, $0x38;
	[tilespmem:$0x17340] =	vst v63  }
0x42: {  	_ =	swait.ge [sflag:s28], $0x4E8  }
0x43: {  	[sflag:s28] =	ssyncset.done $0x0  }
0x44: {  	s4 =	simm.s32 $0x12E50;
	s1 =	rddreg [dreg:$0x9];
	[sflag:s28] =	ssyncadd.s32 $0xFFFFFB18  }
0x45: {  	[tilespmem:s4], [sflag:$0x2] =	stream.linear.gather [hbm4b:s1+s12], $0x4E8, $0x38;
	[tilespmem:$0x17340] =	vst v63  }
0x46: {  	_ =	swait.ge [sflag:s28], $0x4E8  }
0x47: {  	[sflag:s28] =	ssyncset.done $0x0  }
0x48: {  	s10 =	simm.s32 $0x13338;
	s9 =	rddreg [dreg:$0xa];
	[sflag:s28] =	ssyncadd.s32 $0xFFFFFB18  }
0x49: {  	[tilespmem:s10], [sflag:$0x2] =	stream.linear.gather [hbm4b:s9+s12], $0x4E8, $0x38;
	[tilespmem:$0x17340] =	vst v63  }
0x4a: {  	_ =	swait.ge [sflag:s28], $0x4E8  }
0x4b: {  	[sflag:s28] =	ssyncset.done $0x0  }
0x4c: {  	s19 =	simm.s32 $0x13820;
	s17 =	rddreg [dreg:$0xb];
	[sflag:s28] =	ssyncadd.s32 $0xFFFFFB18  }
0x4d: {  	[tilespmem:s19], [sflag:$0x2] =	stream.linear.gather [hbm4b:s17+s12], $0x4E8, $0x38;
	[tilespmem:$0x17340] =	vst v63  }
0x4e: {  	_ =	swait.ge [sflag:s28], $0x4E8  }
0x4f: {  	[sflag:s28] =	ssyncset.done $0x0  }
0x50: {  	s1 =	simm.s32 $0x13D08;
	s23 =	rddreg [dreg:$0xc];
	[sflag:s28] =	ssyncadd.s32 $0xFFFFFB18  }
0x51: {  	[tilespmem:s1], [sflag:$0x2] =	stream.linear.gather [hbm4b:s23+s12], $0x4E8, $0x38;
	[tilespmem:$0x17340] =	vst v63  }
0x52: {  	_ =	swait.ge [sflag:s28], $0x4E8  }
0x53: {  	[sflag:s28] =	ssyncset.done $0x0  }
0x54: {  	s9 =	simm.s32 $0x141F0;
	s4 =	rddreg [dreg:$0xd];
	[sflag:s28] =	ssyncadd.s32 $0xFFFFFB18  }
0x55: {  	v3 =	vmov s12;
	[tilespmem:s9], [sflag:$0x2] =	stream.linear.gather [hbm4b:s4+s12], $0x4E8, $0x38;
	[tilespmem:$0x17340] =	vst v63  }
0x56: {  	v3 =	vand.u32 $0x7FF, v3;
	_ =	swait.ge [sflag:s28], $0x4E8  }
0x57: {  	v3 =	vor.u32 v1, v3;
	[sflag:s28] =	ssyncset.done $0x0  }
0x58: {  	v3 =	vadd.s32 v2, v3;
	s17 =	simm.s32 $0x146D8;
	s10 =	rddreg [dreg:$0xe];
	[sflag:s28] =	ssyncadd.s32 $0xFFFFFB18  }
0x59: {  	[tilespmem:s17], [sflag:$0x2] =	stream.linear.gather [hbm4b:s10+s12], $0x4E8, $0x38;
	[tilespmem:$0x17340] =	vst v63  }
0x5a: {  	_ =	swait.ge [sflag:s28], $0x4E8  }
0x5b: {  	[sflag:s28] =	ssyncset.done $0x0  }
0x5c: {  	s19 =	simm.s32 $0x2;
	[sflag:s28] =	ssyncadd.s32 $0xFFFFFB18  }
0x5d: {  	v5 =	vld.idx.msk [tilespmem:v3+s29+$0x0], $0xffff;
	v3 =	vmov s19  }
0x5e: {  	v3 =	vand.u32 $0x7FF, v3  }
0x5f: {  	v3 =	vor.u32 v1, v3  }
0x60: {  	v3 =	vadd.s32 v2, v3;
	_ =	sdelay $0x2  }
0x61: {  	s25 =	simm.s32 $0x14BC0;
	s23 =	simm.s32 $0x4  }
0x62: {  	s21 =	simm.s32 $0x14BC0;
	v4 =	vmov s23;
	s23 =	simm.s32 $0x6;
	[tilespmem:s25+$0x0] =	vst v5  }
.LBB2_2:
0x63: {  	p0 =	sne.s32 s23, $0x4E0;
	v4 =	vand.u32 $0x7FF, v4;
	v5 =	vld.idx.msk [tilespmem:v3+s29+$0x0], $0xffff  }
0x64: {  	v3 =	vor.u32 v1, v4  }
.Ltmp0:
0x65: {  	v3 =	vadd.s32 v2, v3;
	(pc) =	sbr.rel @p0 .LBB2_2-.Ltmp0, $3  }
0x66: {  	_ =	sdelay $0x1  }
0x67: {  	s21 =	sadd.s32 $0x10, s21  }
0x68: {  	v4 =	vmov s23;
	s23 =	sadd.s32 $0x2, s23;
	[tilespmem:s21+$0x0] =	vst v5  }
0x69: {  	_ =	sdelay $0x2  }
0x6a: {  	v4 =	vand.u32 $0x7FF, v4  }
0x6b: {  	v3 =	vld.idx.msk [tilespmem:v3+s29+$0x0], $0xffff;
	v4 =	vor.u32 v1, v4  }
0x6c: {  	v4 =	vadd.s32 v2, v4;
	_ =	sdelay $0x2  }
0x6d: {  	s21 =	sadd.s32 $0x10, s21  }
0x6e: {  	[tilespmem:s21+$0x0] =	vst v3  }
0x6f: {  	v3 =	vld.idx.msk [tilespmem:v4+s29+$0x0], $0xffff;
	_ =	sdelay $0x3  }
0x70: {  	s21 =	sadd.s32 $0x10, s21  }
0x71: {  	[tilespmem:s21+$0x0] =	vst v3  }
0x72: {  	[bflag:$0x0] =	sbarrier.arrive $0xFFFF  }
0x73: {  	s9 =	rddreg [dreg:$0x11]  }
0x74: {  	[tilespmem:s16], [sflag:$0x2] =	stream.linear.gather [hbm4b:s9+s12], $0x7D00, $0x38;
	[tilespmem:$0x17340] =	vst v63  }
0x75: {  	_ =	swait.ge [sflag:s28], $0x7D00  }
0x76: {  	[sflag:s28] =	ssyncset.done $0x0  }
0x77: {  	s10 =	simm.s32 $0x14BC0;
	[sflag:s28] =	ssyncadd.s32 $0xFFFF8300  }
0x78: {  	[spmem:s2] =	stream.indirect.scatter.add.f32 [tilespmem:s16], [sflag:$0x1], $0x10, s10, s30, $0xb8;
	[tilespmem:$0x17340] =	vst v63  }
0x79: {  	_ = 	snop  }
0x7a: {  	[spmem:s3] =	stream.indirect.scatter.add.f32 [tilespmem:s0], [sflag:$0x1], $0x1, s10, s30, $0xb8;
	[tilespmem:$0x17340] =	vst v63  }
0x7b: {  	s17 =	simm.s32 $0x14C10;
	s1 =	simm.s32 $0x2F80  }
0x7c: {  	[spmem:s2] =	stream.indirect.scatter.add.f32 [tilespmem:s1], [sflag:$0x1], $0x10, s17, s30, $0xb8;
	[tilespmem:$0x17340] =	vst v63  }
0x7d: {  	_ = 	snop  }
0x7e: {  	[spmem:s3] =	stream.indirect.scatter.add.f32 [tilespmem:s0], [sflag:$0x1], $0x1, s17, s30, $0xb8;
	[tilespmem:$0x17340] =	vst v63  }
0x7f: {  	s19 =	simm.s32 $0x14C60;
	s23 =	simm.s32 $0x3480  }
0x80: {  	[spmem:s2] =	stream.indirect.scatter.add.f32 [tilespmem:s23], [sflag:$0x1], $0x10, s19, s30, $0xb8;
	[tilespmem:$0x17340] =	vst v63  }
0x81: {  	_ = 	snop  }
0x82: {  	[spmem:s3] =	stream.indirect.scatter.add.f32 [tilespmem:s0], [sflag:$0x1], $0x1, s19, s30, $0xb8;
	[tilespmem:$0x17340] =	vst v63  }
0x83: {  	s25 =	simm.s32 $0x14CB0;
	s4 =	simm.s32 $0x3980  }
0x84: {  	[spmem:s2] =	stream.indirect.scatter.add.f32 [tilespmem:s4], [sflag:$0x1], $0x10, s25, s30, $0xb8;
	[tilespmem:$0x17340] =	vst v63  }
0x85: {  	_ = 	snop  }
0x86: {  	[spmem:s3] =	stream.indirect.scatter.add.f32 [tilespmem:s0], [sflag:$0x1], $0x1, s25, s30, $0xb8;
	[tilespmem:$0x17340] =	vst v63  }
0x87: {  	s9 =	simm.s32 $0x14D00;
	s10 =	simm.s32 $0x3E80  }
0x88: {  	[spmem:s2] =	stream.indirect.scatter.add.f32 [tilespmem:s10], [sflag:$0x1], $0x10, s9, s30, $0xb8;
	[tilespmem:$0x17340] =	vst v63  }
0x89: {  	_ = 	snop  }
0x8a: {  	[spmem:s3] =	stream.indirect.scatter.add.f32 [tilespmem:s0], [sflag:$0x1], $0x1, s9, s30, $0xb8;
	[tilespmem:$0x17340] =	vst v63  }
0x8b: {  	s17 =	simm.s32 $0x14D50;
	s19 =	simm.s32 $0x4380  }
0x8c: {  	[spmem:s2] =	stream.indirect.scatter.add.f32 [tilespmem:s19], [sflag:$0x1], $0x10, s17, s30, $0xb8;
	[tilespmem:$0x17340] =	vst v63  }
0x8d: {  	_ = 	snop  }
0x8e: {  	[spmem:s3] =	stream.indirect.scatter.add.f32 [tilespmem:s0], [sflag:$0x1], $0x1, s17, s30, $0xb8;
	[tilespmem:$0x17340] =	vst v63  }
0x8f: {  	s23 =	simm.s32 $0x14DA0;
	s25 =	simm.s32 $0x4880  }
0x90: {  	[spmem:s2] =	stream.indirect.scatter.add.f32 [tilespmem:s25], [sflag:$0x1], $0x10, s23, s30, $0xb8;
	[tilespmem:$0x17340] =	vst v63  }
0x91: {  	_ = 	snop  }
0x92: {  	[spmem:s3] =	stream.indirect.scatter.add.f32 [tilespmem:s0], [sflag:$0x1], $0x1, s23, s30, $0xb8;
	[tilespmem:$0x17340] =	vst v63  }
0x93: {  	s4 =	simm.s32 $0x14DF0;
	s9 =	simm.s32 $0x4D80  }
0x94: {  	[spmem:s2] =	stream.indirect.scatter.add.f32 [tilespmem:s9], [sflag:$0x1], $0x10, s4, s30, $0xb8;
	[tilespmem:$0x17340] =	vst v63  }
0x95: {  	_ = 	snop  }
0x96: {  	[spmem:s3] =	stream.indirect.scatter.add.f32 [tilespmem:s0], [sflag:$0x1], $0x1, s4, s30, $0xb8;
	[tilespmem:$0x17340] =	vst v63  }
0x97: {  	s10 =	simm.s32 $0x14E40;
	s17 =	simm.s32 $0x5280  }
0x98: {  	[spmem:s2] =	stream.indirect.scatter.add.f32 [tilespmem:s17], [sflag:$0x1], $0x10, s10, s30, $0xb8;
	[tilespmem:$0x17340] =	vst v63  }
0x99: {  	_ = 	snop  }
0x9a: {  	[spmem:s3] =	stream.indirect.scatter.add.f32 [tilespmem:s0], [sflag:$0x1], $0x1, s10, s30, $0xb8;
	[tilespmem:$0x17340] =	vst v63  }
0x9b: {  	s19 =	simm.s32 $0x14E90;
	s23 =	simm.s32 $0x5780  }
0x9c: {  	[spmem:s2] =	stream.indirect.scatter.add.f32 [tilespmem:s23], [sflag:$0x1], $0x10, s19, s30, $0xb8;
	[tilespmem:$0x17340] =	vst v63  }
0x9d: {  	_ = 	snop  }
0x9e: {  	[spmem:s3] =	stream.indirect.scatter.add.f32 [tilespmem:s0], [sflag:$0x1], $0x1, s19, s30, $0xb8;
	[tilespmem:$0x17340] =	vst v63  }
0x9f: {  	s25 =	simm.s32 $0x14EE0;
	s4 =	simm.s32 $0x5C80  }
0xa0: {  	[spmem:s2] =	stream.indirect.scatter.add.f32 [tilespmem:s4], [sflag:$0x1], $0x10, s25, s30, $0xb8;
	[tilespmem:$0x17340] =	vst v63  }
0xa1: {  	_ = 	snop  }
0xa2: {  	[spmem:s3] =	stream.indirect.scatter.add.f32 [tilespmem:s0], [sflag:$0x1], $0x1, s25, s30, $0xb8;
	[tilespmem:$0x17340] =	vst v63  }
0xa3: {  	s9 =	simm.s32 $0x14F30;
	s10 =	simm.s32 $0x6180  }
0xa4: {  	[spmem:s2] =	stream.indirect.scatter.add.f32 [tilespmem:s10], [sflag:$0x1], $0x10, s9, s30, $0xb8;
	[tilespmem:$0x17340] =	vst v63  }
0xa5: {  	_ = 	snop  }
0xa6: {  	[spmem:s3] =	stream.indirect.scatter.add.f32 [tilespmem:s0], [sflag:$0x1], $0x1, s9, s30, $0xb8;
	[tilespmem:$0x17340] =	vst v63  }
0xa7: {  	s17 =	simm.s32 $0x14F80;
	s19 =	simm.s32 $0x6680  }
0xa8: {  	[spmem:s2] =	stream.indirect.scatter.add.f32 [tilespmem:s19], [sflag:$0x1], $0x10, s17, s30, $0xb8;
	[tilespmem:$0x17340] =	vst v63  }
0xa9: {  	_ = 	snop  }
0xaa: {  	[spmem:s3] =	stream.indirect.scatter.add.f32 [tilespmem:s0], [sflag:$0x1], $0x1, s17, s30, $0xb8;
	[tilespmem:$0x17340] =	vst v63  }
0xab: {  	s23 =	simm.s32 $0x14FD0;
	s25 =	simm.s32 $0x6B80  }
0xac: {  	[spmem:s2] =	stream.indirect.scatter.add.f32 [tilespmem:s25], [sflag:$0x1], $0x10, s23, s30, $0xb8;
	[tilespmem:$0x17340] =	vst v63  }
0xad: {  	_ = 	snop  }
0xae: {  	[spmem:s3] =	stream.indirect.scatter.add.f32 [tilespmem:s0], [sflag:$0x1], $0x1, s23, s30, $0xb8;
	[tilespmem:$0x17340] =	vst v63  }
0xaf: {  	s4 =	simm.s32 $0x15020;
	s9 =	simm.s32 $0x7080  }
0xb0: {  	[spmem:s2] =	stream.indirect.scatter.add.f32 [tilespmem:s9], [sflag:$0x1], $0x10, s4, s30, $0xb8;
	[tilespmem:$0x17340] =	vst v63  }
0xb1: {  	_ = 	snop  }
0xb2: {  	[spmem:s3] =	stream.indirect.scatter.add.f32 [tilespmem:s0], [sflag:$0x1], $0x1, s4, s30, $0xb8;
	[tilespmem:$0x17340] =	vst v63  }
0xb3: {  	s10 =	simm.s32 $0x15070;
	s17 =	simm.s32 $0x7580  }
0xb4: {  	[spmem:s2] =	stream.indirect.scatter.add.f32 [tilespmem:s17], [sflag:$0x1], $0x10, s10, s30, $0xb8;
	[tilespmem:$0x17340] =	vst v63  }
0xb5: {  	_ = 	snop  }
0xb6: {  	[spmem:s3] =	stream.indirect.scatter.add.f32 [tilespmem:s0], [sflag:$0x1], $0x1, s10, s30, $0xb8;
	[tilespmem:$0x17340] =	vst v63  }
0xb7: {  	s19 =	simm.s32 $0x150C0;
	s23 =	simm.s32 $0x7A80  }
0xb8: {  	[spmem:s2] =	stream.indirect.scatter.add.f32 [tilespmem:s23], [sflag:$0x1], $0x10, s19, s30, $0xb8;
	[tilespmem:$0x17340] =	vst v63  }
0xb9: {  	_ = 	snop  }
0xba: {  	[spmem:s3] =	stream.indirect.scatter.add.f32 [tilespmem:s0], [sflag:$0x1], $0x1, s19, s30, $0xb8;
	[tilespmem:$0x17340] =	vst v63  }
0xbb: {  	s25 =	simm.s32 $0x15110;
	s4 =	simm.s32 $0x7F80  }
0xbc: {  	[spmem:s2] =	stream.indirect.scatter.add.f32 [tilespmem:s4], [sflag:$0x1], $0x10, s25, s30, $0xb8;
	[tilespmem:$0x17340] =	vst v63  }
0xbd: {  	_ = 	snop  }
0xbe: {  	[spmem:s3] =	stream.indirect.scatter.add.f32 [tilespmem:s0], [sflag:$0x1], $0x1, s25, s30, $0xb8;
	[tilespmem:$0x17340] =	vst v63  }
0xbf: {  	s9 =	simm.s32 $0x15160;
	s10 =	simm.s32 $0x8480  }
0xc0: {  	[spmem:s2] =	stream.indirect.scatter.add.f32 [tilespmem:s10], [sflag:$0x1], $0x10, s9, s30, $0xb8;
	[tilespmem:$0x17340] =	vst v63  }
0xc1: {  	_ = 	snop  }
0xc2: {  	[spmem:s3] =	stream.indirect.scatter.add.f32 [tilespmem:s0], [sflag:$0x1], $0x1, s9, s30, $0xb8;
	[tilespmem:$0x17340] =	vst v63  }
0xc3: {  	s17 =	simm.s32 $0x151B0;
	s19 =	simm.s32 $0x8980  }
0xc4: {  	[spmem:s2] =	stream.indirect.scatter.add.f32 [tilespmem:s19], [sflag:$0x1], $0x10, s17, s30, $0xb8;
	[tilespmem:$0x17340] =	vst v63  }
0xc5: {  	_ = 	snop  }
0xc6: {  	[spmem:s3] =	stream.indirect.scatter.add.f32 [tilespmem:s0], [sflag:$0x1], $0x1, s17, s30, $0xb8;
	[tilespmem:$0x17340] =	vst v63  }
0xc7: {  	s23 =	simm.s32 $0x15200;
	s25 =	simm.s32 $0x8E80  }
0xc8: {  	[spmem:s2] =	stream.indirect.scatter.add.f32 [tilespmem:s25], [sflag:$0x1], $0x10, s23, s30, $0xb8;
	[tilespmem:$0x17340] =	vst v63  }
0xc9: {  	_ = 	snop  }
0xca: {  	[spmem:s3] =	stream.indirect.scatter.add.f32 [tilespmem:s0], [sflag:$0x1], $0x1, s23, s30, $0xb8;
	[tilespmem:$0x17340] =	vst v63  }
0xcb: {  	s4 =	simm.s32 $0x15250;
	s9 =	simm.s32 $0x9380  }
0xcc: {  	[spmem:s2] =	stream.indirect.scatter.add.f32 [tilespmem:s9], [sflag:$0x1], $0x10, s4, s30, $0xb8;
	[tilespmem:$0x17340] =	vst v63  }
0xcd: {  	_ = 	snop  }
0xce: {  	[spmem:s3] =	stream.indirect.scatter.add.f32 [tilespmem:s0], [sflag:$0x1], $0x1, s4, s30, $0xb8;
	[tilespmem:$0x17340] =	vst v63  }
0xcf: {  	s10 =	simm.s32 $0x152A0;
	s17 =	simm.s32 $0x9880  }
0xd0: {  	[spmem:s2] =	stream.indirect.scatter.add.f32 [tilespmem:s17], [sflag:$0x1], $0x10, s10, s30, $0xb8;
	[tilespmem:$0x17340] =	vst v63  }
0xd1: {  	_ = 	snop  }
0xd2: {  	[spmem:s3] =	stream.indirect.scatter.add.f32 [tilespmem:s0], [sflag:$0x1], $0x1, s10, s30, $0xb8;
	[tilespmem:$0x17340] =	vst v63  }
0xd3: {  	s19 =	simm.s32 $0x152F0;
	s23 =	simm.s32 $0x9D80  }
0xd4: {  	[spmem:s2] =	stream.indirect.scatter.add.f32 [tilespmem:s23], [sflag:$0x1], $0x10, s19, s30, $0xb8;
	[tilespmem:$0x17340] =	vst v63  }
0xd5: {  	_ = 	snop  }
0xd6: {  	[spmem:s3] =	stream.indirect.scatter.add.f32 [tilespmem:s0], [sflag:$0x1], $0x1, s19, s30, $0xb8;
	[tilespmem:$0x17340] =	vst v63  }
0xd7: {  	s25 =	simm.s32 $0x15340;
	s4 =	simm.s32 $0xA280  }
0xd8: {  	[spmem:s2] =	stream.indirect.scatter.add.f32 [tilespmem:s4], [sflag:$0x1], $0x10, s25, s30, $0xb8;
	[tilespmem:$0x17340] =	vst v63  }
0xd9: {  	_ = 	snop  }
0xda: {  	[spmem:s3] =	stream.indirect.scatter.add.f32 [tilespmem:s0], [sflag:$0x1], $0x1, s25, s30, $0xb8;
	[tilespmem:$0x17340] =	vst v63  }
0xdb: {  	s1 =	simm.s32 $0xA780;
	s9 =	rddreg [dreg:$0x12]  }
0xdc: {  	[tilespmem:s1], [sflag:$0x2] =	stream.linear.gather [hbm4b:s9+s12], $0x7D00, $0x38;
	[tilespmem:$0x17340] =	vst v63  }
0xdd: {  	_ =	swait.ge [sflag:s28], $0x7D00  }
0xde: {  	[sflag:s28] =	ssyncset.done $0x0  }
0xdf: {  	[sflag:s28] =	ssyncadd.s32 $0xFFFF8300  }
0xe0: {  	_ =	swait.ge [sflag:s26], $0x84D0  }
0xe1: {  	[sflag:s26] =	ssyncset.done $0x0  }
0xe2: {  	s10 =	simm.s32 $0x15390;
	[sflag:s26] =	ssyncadd.s32 $0xFFFF7B30  }
0xe3: {  	[spmem:s2] =	stream.indirect.scatter.add.f32 [tilespmem:s1], [sflag:$0x1], $0x10, s10, s30, $0xb8;
	[tilespmem:$0x17340] =	vst v63  }
0xe4: {  	_ = 	snop  }
0xe5: {  	[spmem:s3] =	stream.indirect.scatter.add.f32 [tilespmem:s0], [sflag:$0x1], $0x1, s10, s30, $0xb8;
	[tilespmem:$0x17340] =	vst v63  }
0xe6: {  	s4 =	simm.s32 $0xAC80;
	s12 =	simm.s32 $0x153E0  }
0xe7: {  	[spmem:s2] =	stream.indirect.scatter.add.f32 [tilespmem:s4], [sflag:$0x1], $0x10, s12, s30, $0xb8;
	[tilespmem:$0x17340] =	vst v63  }
0xe8: {  	_ = 	snop  }
0xe9: {  	[spmem:s3] =	stream.indirect.scatter.add.f32 [tilespmem:s0], [sflag:$0x1], $0x1, s12, s30, $0xb8;
	[tilespmem:$0x17340] =	vst v63  }
0xea: {  	s17 =	simm.s32 $0x15430;
	s19 =	simm.s32 $0xB180  }
0xeb: {  	[spmem:s2] =	stream.indirect.scatter.add.f32 [tilespmem:s19], [sflag:$0x1], $0x10, s17, s30, $0xb8;
	[tilespmem:$0x17340] =	vst v63  }
0xec: {  	_ = 	snop  }
0xed: {  	[spmem:s3] =	stream.indirect.scatter.add.f32 [tilespmem:s0], [sflag:$0x1], $0x1, s17, s30, $0xb8;
	[tilespmem:$0x17340] =	vst v63  }
0xee: {  	s23 =	simm.s32 $0x15480;
	s25 =	simm.s32 $0xB680  }
0xef: {  	[spmem:s2] =	stream.indirect.scatter.add.f32 [tilespmem:s25], [sflag:$0x1], $0x10, s23, s30, $0xb8;
	[tilespmem:$0x17340] =	vst v63  }
0xf0: {  	_ = 	snop  }
0xf1: {  	[spmem:s3] =	stream.indirect.scatter.add.f32 [tilespmem:s0], [sflag:$0x1], $0x1, s23, s30, $0xb8;
	[tilespmem:$0x17340] =	vst v63  }
0xf2: {  	s9 =	simm.s32 $0x154D0;
	s10 =	simm.s32 $0xBB80  }
0xf3: {  	[spmem:s2] =	stream.indirect.scatter.add.f32 [tilespmem:s10], [sflag:$0x1], $0x10, s9, s30, $0xb8;
	[tilespmem:$0x17340] =	vst v63  }
0xf4: {  	_ = 	snop  }
0xf5: {  	[spmem:s3] =	stream.indirect.scatter.add.f32 [tilespmem:s0], [sflag:$0x1], $0x1, s9, s30, $0xb8;
	[tilespmem:$0x17340] =	vst v63  }
0xf6: {  	s12 =	simm.s32 $0x15520;
	s17 =	simm.s32 $0xC080  }
0xf7: {  	[spmem:s2] =	stream.indirect.scatter.add.f32 [tilespmem:s17], [sflag:$0x1], $0x10, s12, s30, $0xb8;
	[tilespmem:$0x17340] =	vst v63  }
0xf8: {  	_ = 	snop  }
0xf9: {  	[spmem:s3] =	stream.indirect.scatter.add.f32 [tilespmem:s0], [sflag:$0x1], $0x1, s12, s30, $0xb8;
	[tilespmem:$0x17340] =	vst v63  }
0xfa: {  	s19 =	simm.s32 $0x15570;
	s23 =	simm.s32 $0xC580  }
0xfb: {  	[spmem:s2] =	stream.indirect.scatter.add.f32 [tilespmem:s23], [sflag:$0x1], $0x10, s19, s30, $0xb8;
	[tilespmem:$0x17340] =	vst v63  }
0xfc: {  	_ = 	snop  }
0xfd: {  	[spmem:s3] =	stream.indirect.scatter.add.f32 [tilespmem:s0], [sflag:$0x1], $0x1, s19, s30, $0xb8;
	[tilespmem:$0x17340] =	vst v63  }
0xfe: {  	s25 =	simm.s32 $0x155C0;
	s10 =	simm.s32 $0xCA80  }
0xff: {  	[spmem:s2] =	stream.indirect.scatter.add.f32 [tilespmem:s10], [sflag:$0x1], $0x10, s25, s30, $0xb8;
	[tilespmem:$0x17340] =	vst v63  }
0x100: {  	_ = 	snop  }
0x101: {  	[spmem:s3] =	stream.indirect.scatter.add.f32 [tilespmem:s0], [sflag:$0x1], $0x1, s25, s30, $0xb8;
	[tilespmem:$0x17340] =	vst v63  }
0x102: {  	s4 =	simm.s32 $0x15610  }
0x103: {  	[spmem:s2] =	stream.indirect.scatter.add.f32 [tilespmem:s11], [sflag:$0x1], $0x10, s4, s30, $0xb8;
	[tilespmem:$0x17340] =	vst v63  }
0x104: {  	_ = 	snop  }
0x105: {  	[spmem:s3] =	stream.indirect.scatter.add.f32 [tilespmem:s0], [sflag:$0x1], $0x1, s4, s30, $0xb8;
	[tilespmem:$0x17340] =	vst v63  }
0x106: {  	s9 =	simm.s32 $0x15660;
	s12 =	simm.s32 $0xD480  }
0x107: {  	[spmem:s2] =	stream.indirect.scatter.add.f32 [tilespmem:s12], [sflag:$0x1], $0x10, s9, s30, $0xb8;
	[tilespmem:$0x17340] =	vst v63  }
0x108: {  	_ = 	snop  }
0x109: {  	[spmem:s3] =	stream.indirect.scatter.add.f32 [tilespmem:s0], [sflag:$0x1], $0x1, s9, s30, $0xb8;
	[tilespmem:$0x17340] =	vst v63  }
0x10a: {  	s17 =	simm.s32 $0x156B0  }
0x10b: {  	[spmem:s2] =	stream.indirect.scatter.add.f32 [tilespmem:s13], [sflag:$0x1], $0x10, s17, s30, $0xb8;
	[tilespmem:$0x17340] =	vst v63  }
0x10c: {  	_ = 	snop  }
0x10d: {  	[spmem:s3] =	stream.indirect.scatter.add.f32 [tilespmem:s0], [sflag:$0x1], $0x1, s17, s30, $0xb8;
	[tilespmem:$0x17340] =	vst v63  }
0x10e: {  	s19 =	simm.s32 $0x15700  }
0x10f: {  	[spmem:s2] =	stream.indirect.scatter.add.f32 [tilespmem:s15], [sflag:$0x1], $0x10, s19, s30, $0xb8;
	[tilespmem:$0x17340] =	vst v63  }
0x110: {  	_ = 	snop  }
0x111: {  	[spmem:s3] =	stream.indirect.scatter.add.f32 [tilespmem:s0], [sflag:$0x1], $0x1, s19, s30, $0xb8;
	[tilespmem:$0x17340] =	vst v63  }
0x112: {  	s23 =	simm.s32 $0x15750;
	s17 =	simm.s32 $0xE380  }
0x113: {  	[spmem:s2] =	stream.indirect.scatter.add.f32 [tilespmem:s17], [sflag:$0x1], $0x10, s23, s30, $0xb8;
	[tilespmem:$0x17340] =	vst v63  }
0x114: {  	_ = 	snop  }
0x115: {  	[spmem:s3] =	stream.indirect.scatter.add.f32 [tilespmem:s0], [sflag:$0x1], $0x1, s23, s30, $0xb8;
	[tilespmem:$0x17340] =	vst v63  }
0x116: {  	s25 =	simm.s32 $0x157A0  }
0x117: {  	[spmem:s2] =	stream.indirect.scatter.add.f32 [tilespmem:s18], [sflag:$0x1], $0x10, s25, s30, $0xb8;
	[tilespmem:$0x17340] =	vst v63  }
0x118: {  	_ = 	snop  }
0x119: {  	[spmem:s3] =	stream.indirect.scatter.add.f32 [tilespmem:s0], [sflag:$0x1], $0x1, s25, s30, $0xb8;
	[tilespmem:$0x17340] =	vst v63  }
0x11a: {  	s9 =	simm.s32 $0x157F0;
	s19 =	simm.s32 $0xED80  }
0x11b: {  	[spmem:s2] =	stream.indirect.scatter.add.f32 [tilespmem:s19], [sflag:$0x1], $0x10, s9, s30, $0xb8;
	[tilespmem:$0x17340] =	vst v63  }
0x11c: {  	_ = 	snop  }
0x11d: {  	[spmem:s3] =	stream.indirect.scatter.add.f32 [tilespmem:s0], [sflag:$0x1], $0x1, s9, s30, $0xb8;
	[tilespmem:$0x17340] =	vst v63  }
0x11e: {  	s23 =	simm.s32 $0x15840  }
0x11f: {  	[spmem:s2] =	stream.indirect.scatter.add.f32 [tilespmem:s20], [sflag:$0x1], $0x10, s23, s30, $0xb8;
	[tilespmem:$0x17340] =	vst v63  }
0x120: {  	_ = 	snop  }
0x121: {  	[spmem:s3] =	stream.indirect.scatter.add.f32 [tilespmem:s0], [sflag:$0x1], $0x1, s23, s30, $0xb8;
	[tilespmem:$0x17340] =	vst v63  }
0x122: {  	s25 =	simm.s32 $0x15890  }
0x123: {  	[spmem:s2] =	stream.indirect.scatter.add.f32 [tilespmem:s22], [sflag:$0x1], $0x10, s25, s30, $0xb8;
	[tilespmem:$0x17340] =	vst v63  }
0x124: {  	_ = 	snop  }
0x125: {  	[spmem:s3] =	stream.indirect.scatter.add.f32 [tilespmem:s0], [sflag:$0x1], $0x1, s25, s30, $0xb8;
	[tilespmem:$0x17340] =	vst v63  }
0x126: {  	s9 =	simm.s32 $0x158E0;
	s23 =	simm.s32 $0xFC80  }
0x127: {  	[spmem:s2] =	stream.indirect.scatter.add.f32 [tilespmem:s23], [sflag:$0x1], $0x10, s9, s30, $0xb8;
	[tilespmem:$0x17340] =	vst v63  }
0x128: {  	_ = 	snop  }
0x129: {  	[spmem:s3] =	stream.indirect.scatter.add.f32 [tilespmem:s0], [sflag:$0x1], $0x1, s9, s30, $0xb8;
	[tilespmem:$0x17340] =	vst v63  }
0x12a: {  	s25 =	simm.s32 $0x15930  }
0x12b: {  	[spmem:s2] =	stream.indirect.scatter.add.f32 [tilespmem:s24], [sflag:$0x1], $0x10, s25, s30, $0xb8;
	[tilespmem:$0x17340] =	vst v63  }
0x12c: {  	_ = 	snop  }
0x12d: {  	[spmem:s3] =	stream.indirect.scatter.add.f32 [tilespmem:s0], [sflag:$0x1], $0x1, s25, s30, $0xb8;
	[tilespmem:$0x17340] =	vst v63  }
0x12e: {  	s9 =	simm.s32 $0x15980;
	s25 =	simm.s32 $0x10680  }
0x12f: {  	[spmem:s2] =	stream.indirect.scatter.add.f32 [tilespmem:s25], [sflag:$0x1], $0x10, s9, s30, $0xb8;
	[tilespmem:$0x17340] =	vst v63  }
0x130: {  	_ = 	snop  }
0x131: {  	[spmem:s3] =	stream.indirect.scatter.add.f32 [tilespmem:s0], [sflag:$0x1], $0x1, s9, s30, $0xb8;
	[tilespmem:$0x17340] =	vst v63  }
0x132: {  	s9 =	simm.s32 $0x159D0  }
0x133: {  	[spmem:s2] =	stream.indirect.scatter.add.f32 [tilespmem:s31], [sflag:$0x1], $0x10, s9, s30, $0xb8;
	[tilespmem:$0x17340] =	vst v63  }
0x134: {  	_ = 	snop  }
0x135: {  	[spmem:s3] =	stream.indirect.scatter.add.f32 [tilespmem:s0], [sflag:$0x1], $0x1, s9, s30, $0xb8;
	[tilespmem:$0x17340] =	vst v63  }
0x136: {  	s9 =	simm.s32 $0x15A20  }
0x137: {  	[spmem:s2] =	stream.indirect.scatter.add.f32 [tilespmem:s8], [sflag:$0x1], $0x10, s9, s30, $0xb8;
	[tilespmem:$0x17340] =	vst v63  }
0x138: {  	_ = 	snop  }
0x139: {  	[spmem:s3] =	stream.indirect.scatter.add.f32 [tilespmem:s0], [sflag:$0x1], $0x1, s9, s30, $0xb8;
	[tilespmem:$0x17340] =	vst v63  }
0x13a: {  	s9 =	simm.s32 $0x15A70  }
0x13b: {  	[spmem:s2] =	stream.indirect.scatter.add.f32 [tilespmem:s7], [sflag:$0x1], $0x10, s9, s30, $0xb8;
	[tilespmem:$0x17340] =	vst v63  }
0x13c: {  	_ = 	snop  }
0x13d: {  	[spmem:s3] =	stream.indirect.scatter.add.f32 [tilespmem:s0], [sflag:$0x1], $0x1, s9, s30, $0xb8;
	[tilespmem:$0x17340] =	vst v63  }
0x13e: {  	s9 =	simm.s32 $0x15AC0  }
0x13f: {  	[spmem:s2] =	stream.indirect.scatter.add.f32 [tilespmem:s6], [sflag:$0x1], $0x10, s9, s30, $0xb8;
	[tilespmem:$0x17340] =	vst v63  }
0x140: {  	_ = 	snop  }
0x141: {  	[spmem:s3] =	stream.indirect.scatter.add.f32 [tilespmem:s0], [sflag:$0x1], $0x1, s9, s30, $0xb8;
	[tilespmem:$0x17340] =	vst v63  }
0x142: {  	s9 =	simm.s32 $0x15B10  }
0x143: {  	[spmem:s2] =	stream.indirect.scatter.add.f32 [tilespmem:s5], [sflag:$0x1], $0x10, s9, s30, $0xb8;
	[tilespmem:$0x17340] =	vst v63  }
0x144: {  	_ = 	snop  }
0x145: {  	[spmem:s3] =	stream.indirect.scatter.add.f32 [tilespmem:s0], [sflag:$0x1], $0x1, s9, s30, $0xb8;
	[tilespmem:$0x17340] =	vst v63  }
0x146: {  	s4 =	simm.s32 $0x0;
	s9 =	rddreg [dreg:$0x13]  }
0x147: {  	[tilespmem:s16], [sflag:$0x2] =	stream.linear.gather [hbm4b:s9+s4], $0x7D00, $0x38;
	[tilespmem:$0x17340] =	vst v63  }
0x148: {  	_ =	swait.ge [sflag:s28], $0x7D00  }
0x149: {  	[sflag:s28] =	ssyncset.done $0x0  }
0x14a: {  	[sflag:s28] =	ssyncadd.s32 $0xFFFF8300  }
0x14b: {  	_ =	swait.ge [sflag:s26], $0x84D0  }
0x14c: {  	[sflag:s26] =	ssyncset.done $0x0  }
0x14d: {  	s9 =	simm.s32 $0x15B60;
	[sflag:s26] =	ssyncadd.s32 $0xFFFF7B30  }
0x14e: {  	[spmem:s2] =	stream.indirect.scatter.add.f32 [tilespmem:s16], [sflag:$0x1], $0x10, s9, s30, $0xb8;
	[tilespmem:$0x17340] =	vst v63  }
0x14f: {  	_ = 	snop  }
0x150: {  	[spmem:s3] =	stream.indirect.scatter.add.f32 [tilespmem:s0], [sflag:$0x1], $0x1, s9, s30, $0xb8;
	[tilespmem:$0x17340] =	vst v63  }
0x151: {  	s21 =	simm.s32 $0x15BB0;
	s9 =	simm.s32 $0x2F80  }
0x152: {  	[spmem:s2] =	stream.indirect.scatter.add.f32 [tilespmem:s9], [sflag:$0x1], $0x10, s21, s30, $0xb8;
	[tilespmem:$0x17340] =	vst v63  }
0x153: {  	_ = 	snop  }
0x154: {  	[spmem:s3] =	stream.indirect.scatter.add.f32 [tilespmem:s0], [sflag:$0x1], $0x1, s21, s30, $0xb8;
	[tilespmem:$0x17340] =	vst v63  }
0x155: {  	s9 =	simm.s32 $0x3480;
	s21 =	simm.s32 $0x15C00  }
0x156: {  	[spmem:s2] =	stream.indirect.scatter.add.f32 [tilespmem:s9], [sflag:$0x1], $0x10, s21, s30, $0xb8;
	[tilespmem:$0x17340] =	vst v63  }
0x157: {  	_ = 	snop  }
0x158: {  	[spmem:s3] =	stream.indirect.scatter.add.f32 [tilespmem:s0], [sflag:$0x1], $0x1, s21, s30, $0xb8;
	[tilespmem:$0x17340] =	vst v63  }
0x159: {  	s9 =	simm.s32 $0x3980;
	s21 =	simm.s32 $0x15C50  }
0x15a: {  	[spmem:s2] =	stream.indirect.scatter.add.f32 [tilespmem:s9], [sflag:$0x1], $0x10, s21, s30, $0xb8;
	[tilespmem:$0x17340] =	vst v63  }
0x15b: {  	_ = 	snop  }
0x15c: {  	[spmem:s3] =	stream.indirect.scatter.add.f32 [tilespmem:s0], [sflag:$0x1], $0x1, s21, s30, $0xb8;
	[tilespmem:$0x17340] =	vst v63  }
0x15d: {  	s9 =	simm.s32 $0x3E80;
	s21 =	simm.s32 $0x15CA0  }
0x15e: {  	[spmem:s2] =	stream.indirect.scatter.add.f32 [tilespmem:s9], [sflag:$0x1], $0x10, s21, s30, $0xb8;
	[tilespmem:$0x17340] =	vst v63  }
0x15f: {  	_ = 	snop  }
0x160: {  	[spmem:s3] =	stream.indirect.scatter.add.f32 [tilespmem:s0], [sflag:$0x1], $0x1, s21, s30, $0xb8;
	[tilespmem:$0x17340] =	vst v63  }
0x161: {  	s9 =	simm.s32 $0x4380;
	s21 =	simm.s32 $0x15CF0  }
0x162: {  	[spmem:s2] =	stream.indirect.scatter.add.f32 [tilespmem:s9], [sflag:$0x1], $0x10, s21, s30, $0xb8;
	[tilespmem:$0x17340] =	vst v63  }
0x163: {  	_ = 	snop  }
0x164: {  	[spmem:s3] =	stream.indirect.scatter.add.f32 [tilespmem:s0], [sflag:$0x1], $0x1, s21, s30, $0xb8;
	[tilespmem:$0x17340] =	vst v63  }
0x165: {  	s9 =	simm.s32 $0x4880;
	s21 =	simm.s32 $0x15D40  }
0x166: {  	[spmem:s2] =	stream.indirect.scatter.add.f32 [tilespmem:s9], [sflag:$0x1], $0x10, s21, s30, $0xb8;
	[tilespmem:$0x17340] =	vst v63  }
0x167: {  	_ = 	snop  }
0x168: {  	[spmem:s3] =	stream.indirect.scatter.add.f32 [tilespmem:s0], [sflag:$0x1], $0x1, s21, s30, $0xb8;
	[tilespmem:$0x17340] =	vst v63  }
0x169: {  	s9 =	simm.s32 $0x4D80;
	s21 =	simm.s32 $0x15D90  }
0x16a: {  	[spmem:s2] =	stream.indirect.scatter.add.f32 [tilespmem:s9], [sflag:$0x1], $0x10, s21, s30, $0xb8;
	[tilespmem:$0x17340] =	vst v63  }
0x16b: {  	_ = 	snop  }
0x16c: {  	[spmem:s3] =	stream.indirect.scatter.add.f32 [tilespmem:s0], [sflag:$0x1], $0x1, s21, s30, $0xb8;
	[tilespmem:$0x17340] =	vst v63  }
0x16d: {  	s9 =	simm.s32 $0x5280;
	s21 =	simm.s32 $0x15DE0  }
0x16e: {  	[spmem:s2] =	stream.indirect.scatter.add.f32 [tilespmem:s9], [sflag:$0x1], $0x10, s21, s30, $0xb8;
	[tilespmem:$0x17340] =	vst v63  }
0x16f: {  	_ = 	snop  }
0x170: {  	[spmem:s3] =	stream.indirect.scatter.add.f32 [tilespmem:s0], [sflag:$0x1], $0x1, s21, s30, $0xb8;
	[tilespmem:$0x17340] =	vst v63  }
0x171: {  	s9 =	simm.s32 $0x5780;
	s21 =	simm.s32 $0x15E30  }
0x172: {  	[spmem:s2] =	stream.indirect.scatter.add.f32 [tilespmem:s9], [sflag:$0x1], $0x10, s21, s30, $0xb8;
	[tilespmem:$0x17340] =	vst v63  }
0x173: {  	_ = 	snop  }
0x174: {  	[spmem:s3] =	stream.indirect.scatter.add.f32 [tilespmem:s0], [sflag:$0x1], $0x1, s21, s30, $0xb8;
	[tilespmem:$0x17340] =	vst v63  }
0x175: {  	s9 =	simm.s32 $0x5C80;
	s21 =	simm.s32 $0x15E80  }
0x176: {  	[spmem:s2] =	stream.indirect.scatter.add.f32 [tilespmem:s9], [sflag:$0x1], $0x10, s21, s30, $0xb8;
	[tilespmem:$0x17340] =	vst v63  }
0x177: {  	_ = 	snop  }
0x178: {  	[spmem:s3] =	stream.indirect.scatter.add.f32 [tilespmem:s0], [sflag:$0x1], $0x1, s21, s30, $0xb8;
	[tilespmem:$0x17340] =	vst v63  }
0x179: {  	s9 =	simm.s32 $0x6180;
	s21 =	simm.s32 $0x15ED0  }
0x17a: {  	[spmem:s2] =	stream.indirect.scatter.add.f32 [tilespmem:s9], [sflag:$0x1], $0x10, s21, s30, $0xb8;
	[tilespmem:$0x17340] =	vst v63  }
0x17b: {  	_ = 	snop  }
0x17c: {  	[spmem:s3] =	stream.indirect.scatter.add.f32 [tilespmem:s0], [sflag:$0x1], $0x1, s21, s30, $0xb8;
	[tilespmem:$0x17340] =	vst v63  }
0x17d: {  	s9 =	simm.s32 $0x6680;
	s21 =	simm.s32 $0x15F20  }
0x17e: {  	[spmem:s2] =	stream.indirect.scatter.add.f32 [tilespmem:s9], [sflag:$0x1], $0x10, s21, s30, $0xb8;
	[tilespmem:$0x17340] =	vst v63  }
0x17f: {  	_ = 	snop  }
0x180: {  	[spmem:s3] =	stream.indirect.scatter.add.f32 [tilespmem:s0], [sflag:$0x1], $0x1, s21, s30, $0xb8;
	[tilespmem:$0x17340] =	vst v63  }
0x181: {  	s9 =	simm.s32 $0x6B80;
	s21 =	simm.s32 $0x15F70  }
0x182: {  	[spmem:s2] =	stream.indirect.scatter.add.f32 [tilespmem:s9], [sflag:$0x1], $0x10, s21, s30, $0xb8;
	[tilespmem:$0x17340] =	vst v63  }
0x183: {  	_ = 	snop  }
0x184: {  	[spmem:s3] =	stream.indirect.scatter.add.f32 [tilespmem:s0], [sflag:$0x1], $0x1, s21, s30, $0xb8;
	[tilespmem:$0x17340] =	vst v63  }
0x185: {  	s9 =	simm.s32 $0x7080;
	s21 =	simm.s32 $0x15FC0  }
0x186: {  	[spmem:s2] =	stream.indirect.scatter.add.f32 [tilespmem:s9], [sflag:$0x1], $0x10, s21, s30, $0xb8;
	[tilespmem:$0x17340] =	vst v63  }
0x187: {  	_ = 	snop  }
0x188: {  	[spmem:s3] =	stream.indirect.scatter.add.f32 [tilespmem:s0], [sflag:$0x1], $0x1, s21, s30, $0xb8;
	[tilespmem:$0x17340] =	vst v63  }
0x189: {  	s9 =	simm.s32 $0x7580;
	s21 =	simm.s32 $0x16010  }
0x18a: {  	[spmem:s2] =	stream.indirect.scatter.add.f32 [tilespmem:s9], [sflag:$0x1], $0x10, s21, s30, $0xb8;
	[tilespmem:$0x17340] =	vst v63  }
0x18b: {  	_ = 	snop  }
0x18c: {  	[spmem:s3] =	stream.indirect.scatter.add.f32 [tilespmem:s0], [sflag:$0x1], $0x1, s21, s30, $0xb8;
	[tilespmem:$0x17340] =	vst v63  }
0x18d: {  	s9 =	simm.s32 $0x7A80;
	s21 =	simm.s32 $0x16060  }
0x18e: {  	[spmem:s2] =	stream.indirect.scatter.add.f32 [tilespmem:s9], [sflag:$0x1], $0x10, s21, s30, $0xb8;
	[tilespmem:$0x17340] =	vst v63  }
0x18f: {  	_ = 	snop  }
0x190: {  	[spmem:s3] =	stream.indirect.scatter.add.f32 [tilespmem:s0], [sflag:$0x1], $0x1, s21, s30, $0xb8;
	[tilespmem:$0x17340] =	vst v63  }
0x191: {  	s9 =	simm.s32 $0x7F80;
	s21 =	simm.s32 $0x160B0  }
0x192: {  	[spmem:s2] =	stream.indirect.scatter.add.f32 [tilespmem:s9], [sflag:$0x1], $0x10, s21, s30, $0xb8;
	[tilespmem:$0x17340] =	vst v63  }
0x193: {  	_ = 	snop  }
0x194: {  	[spmem:s3] =	stream.indirect.scatter.add.f32 [tilespmem:s0], [sflag:$0x1], $0x1, s21, s30, $0xb8;
	[tilespmem:$0x17340] =	vst v63  }
0x195: {  	s9 =	simm.s32 $0x8480;
	s21 =	simm.s32 $0x16100  }
0x196: {  	[spmem:s2] =	stream.indirect.scatter.add.f32 [tilespmem:s9], [sflag:$0x1], $0x10, s21, s30, $0xb8;
	[tilespmem:$0x17340] =	vst v63  }
0x197: {  	_ = 	snop  }
0x198: {  	[spmem:s3] =	stream.indirect.scatter.add.f32 [tilespmem:s0], [sflag:$0x1], $0x1, s21, s30, $0xb8;
	[tilespmem:$0x17340] =	vst v63  }
0x199: {  	s9 =	simm.s32 $0x8980;
	s21 =	simm.s32 $0x16150  }
0x19a: {  	[spmem:s2] =	stream.indirect.scatter.add.f32 [tilespmem:s9], [sflag:$0x1], $0x10, s21, s30, $0xb8;
	[tilespmem:$0x17340] =	vst v63  }
0x19b: {  	_ = 	snop  }
0x19c: {  	[spmem:s3] =	stream.indirect.scatter.add.f32 [tilespmem:s0], [sflag:$0x1], $0x1, s21, s30, $0xb8;
	[tilespmem:$0x17340] =	vst v63  }
0x19d: {  	s9 =	simm.s32 $0x8E80;
	s21 =	simm.s32 $0x161A0  }
0x19e: {  	[spmem:s2] =	stream.indirect.scatter.add.f32 [tilespmem:s9], [sflag:$0x1], $0x10, s21, s30, $0xb8;
	[tilespmem:$0x17340] =	vst v63  }
0x19f: {  	_ = 	snop  }
0x1a0: {  	[spmem:s3] =	stream.indirect.scatter.add.f32 [tilespmem:s0], [sflag:$0x1], $0x1, s21, s30, $0xb8;
	[tilespmem:$0x17340] =	vst v63  }
0x1a1: {  	s9 =	simm.s32 $0x9380;
	s21 =	simm.s32 $0x161F0  }
0x1a2: {  	[spmem:s2] =	stream.indirect.scatter.add.f32 [tilespmem:s9], [sflag:$0x1], $0x10, s21, s30, $0xb8;
	[tilespmem:$0x17340] =	vst v63  }
0x1a3: {  	_ = 	snop  }
0x1a4: {  	[spmem:s3] =	stream.indirect.scatter.add.f32 [tilespmem:s0], [sflag:$0x1], $0x1, s21, s30, $0xb8;
	[tilespmem:$0x17340] =	vst v63  }
0x1a5: {  	s9 =	simm.s32 $0x9880;
	s21 =	simm.s32 $0x16240  }
0x1a6: {  	[spmem:s2] =	stream.indirect.scatter.add.f32 [tilespmem:s9], [sflag:$0x1], $0x10, s21, s30, $0xb8;
	[tilespmem:$0x17340] =	vst v63  }
0x1a7: {  	_ = 	snop  }
0x1a8: {  	[spmem:s3] =	stream.indirect.scatter.add.f32 [tilespmem:s0], [sflag:$0x1], $0x1, s21, s30, $0xb8;
	[tilespmem:$0x17340] =	vst v63  }
0x1a9: {  	s9 =	simm.s32 $0x9D80;
	s21 =	simm.s32 $0x16290  }
0x1aa: {  	[spmem:s2] =	stream.indirect.scatter.add.f32 [tilespmem:s9], [sflag:$0x1], $0x10, s21, s30, $0xb8;
	[tilespmem:$0x17340] =	vst v63  }
0x1ab: {  	_ = 	snop  }
0x1ac: {  	[spmem:s3] =	stream.indirect.scatter.add.f32 [tilespmem:s0], [sflag:$0x1], $0x1, s21, s30, $0xb8;
	[tilespmem:$0x17340] =	vst v63  }
0x1ad: {  	s9 =	simm.s32 $0xA280;
	s21 =	simm.s32 $0x162E0  }
0x1ae: {  	[spmem:s2] =	stream.indirect.scatter.add.f32 [tilespmem:s9], [sflag:$0x1], $0x10, s21, s30, $0xb8;
	[tilespmem:$0x17340] =	vst v63  }
0x1af: {  	_ = 	snop  }
0x1b0: {  	[spmem:s3] =	stream.indirect.scatter.add.f32 [tilespmem:s0], [sflag:$0x1], $0x1, s21, s30, $0xb8;
	[tilespmem:$0x17340] =	vst v63  }
0x1b1: {  	s21 =	rddreg [dreg:$0x15]  }
0x1b2: {  	[tilespmem:s1], [sflag:$0x2] =	stream.linear.gather [hbm4b:s21+s4], $0x7D00, $0x38;
	[tilespmem:$0x17340] =	vst v63  }
0x1b3: {  	_ =	swait.ge [sflag:s28], $0x7D00  }
0x1b4: {  	[sflag:s28] =	ssyncset.done $0x0  }
0x1b5: {  	[sflag:s28] =	ssyncadd.s32 $0xFFFF8300  }
0x1b6: {  	_ =	swait.ge [sflag:s26], $0x84D0  }
0x1b7: {  	[sflag:s26] =	ssyncset.done $0x0  }
0x1b8: {  	s21 =	simm.s32 $0x16330;
	[sflag:s26] =	ssyncadd.s32 $0xFFFF7B30  }
0x1b9: {  	[spmem:s2] =	stream.indirect.scatter.add.f32 [tilespmem:s1], [sflag:$0x1], $0x10, s21, s30, $0xb8;
	[tilespmem:$0x17340] =	vst v63  }
0x1ba: {  	_ = 	snop  }
0x1bb: {  	[spmem:s3] =	stream.indirect.scatter.add.f32 [tilespmem:s0], [sflag:$0x1], $0x1, s21, s30, $0xb8;
	[tilespmem:$0x17340] =	vst v63  }
0x1bc: {  	s1 =	simm.s32 $0x16380;
	s21 =	simm.s32 $0xAC80  }
0x1bd: {  	[spmem:s2] =	stream.indirect.scatter.add.f32 [tilespmem:s21], [sflag:$0x1], $0x10, s1, s30, $0xb8;
	[tilespmem:$0x17340] =	vst v63  }
0x1be: {  	_ = 	snop  }
0x1bf: {  	[spmem:s3] =	stream.indirect.scatter.add.f32 [tilespmem:s0], [sflag:$0x1], $0x1, s1, s30, $0xb8;
	[tilespmem:$0x17340] =	vst v63  }
0x1c0: {  	s21 =	simm.s32 $0xB180;
	s1 =	simm.s32 $0x163D0  }
0x1c1: {  	[spmem:s2] =	stream.indirect.scatter.add.f32 [tilespmem:s21], [sflag:$0x1], $0x10, s1, s30, $0xb8;
	[tilespmem:$0x17340] =	vst v63  }
0x1c2: {  	_ = 	snop  }
0x1c3: {  	[spmem:s3] =	stream.indirect.scatter.add.f32 [tilespmem:s0], [sflag:$0x1], $0x1, s1, s30, $0xb8;
	[tilespmem:$0x17340] =	vst v63  }
0x1c4: {  	s21 =	simm.s32 $0xB680;
	s1 =	simm.s32 $0x16420  }
0x1c5: {  	[spmem:s2] =	stream.indirect.scatter.add.f32 [tilespmem:s21], [sflag:$0x1], $0x10, s1, s30, $0xb8;
	[tilespmem:$0x17340] =	vst v63  }
0x1c6: {  	_ = 	snop  }
0x1c7: {  	[spmem:s3] =	stream.indirect.scatter.add.f32 [tilespmem:s0], [sflag:$0x1], $0x1, s1, s30, $0xb8;
	[tilespmem:$0x17340] =	vst v63  }
0x1c8: {  	s21 =	simm.s32 $0xBB80;
	s1 =	simm.s32 $0x16470  }
0x1c9: {  	[spmem:s2] =	stream.indirect.scatter.add.f32 [tilespmem:s21], [sflag:$0x1], $0x10, s1, s30, $0xb8;
	[tilespmem:$0x17340] =	vst v63  }
0x1ca: {  	_ = 	snop  }
0x1cb: {  	[spmem:s3] =	stream.indirect.scatter.add.f32 [tilespmem:s0], [sflag:$0x1], $0x1, s1, s30, $0xb8;
	[tilespmem:$0x17340] =	vst v63  }
0x1cc: {  	s21 =	simm.s32 $0xC080;
	s1 =	simm.s32 $0x164C0  }
0x1cd: {  	[spmem:s2] =	stream.indirect.scatter.add.f32 [tilespmem:s21], [sflag:$0x1], $0x10, s1, s30, $0xb8;
	[tilespmem:$0x17340] =	vst v63  }
0x1ce: {  	_ = 	snop  }
0x1cf: {  	[spmem:s3] =	stream.indirect.scatter.add.f32 [tilespmem:s0], [sflag:$0x1], $0x1, s1, s30, $0xb8;
	[tilespmem:$0x17340] =	vst v63  }
0x1d0: {  	s21 =	simm.s32 $0xC580;
	s1 =	simm.s32 $0x16510  }
0x1d1: {  	[spmem:s2] =	stream.indirect.scatter.add.f32 [tilespmem:s21], [sflag:$0x1], $0x10, s1, s30, $0xb8;
	[tilespmem:$0x17340] =	vst v63  }
0x1d2: {  	_ = 	snop  }
0x1d3: {  	[spmem:s3] =	stream.indirect.scatter.add.f32 [tilespmem:s0], [sflag:$0x1], $0x1, s1, s30, $0xb8;
	[tilespmem:$0x17340] =	vst v63  }
0x1d4: {  	s4 =	simm.s32 $0x16560  }
0x1d5: {  	[spmem:s2] =	stream.indirect.scatter.add.f32 [tilespmem:s10], [sflag:$0x1], $0x10, s4, s30, $0xb8;
	[tilespmem:$0x17340] =	vst v63  }
0x1d6: {  	_ = 	snop  }
0x1d7: {  	[spmem:s3] =	stream.indirect.scatter.add.f32 [tilespmem:s0], [sflag:$0x1], $0x1, s4, s30, $0xb8;
	[tilespmem:$0x17340] =	vst v63  }
0x1d8: {  	s21 =	simm.s32 $0x165B0  }
0x1d9: {  	[spmem:s2] =	stream.indirect.scatter.add.f32 [tilespmem:s11], [sflag:$0x1], $0x10, s21, s30, $0xb8;
	[tilespmem:$0x17340] =	vst v63  }
0x1da: {  	_ = 	snop  }
0x1db: {  	[spmem:s3] =	stream.indirect.scatter.add.f32 [tilespmem:s0], [sflag:$0x1], $0x1, s21, s30, $0xb8;
	[tilespmem:$0x17340] =	vst v63  }
0x1dc: {  	s4 =	simm.s32 $0x16600  }
0x1dd: {  	[spmem:s2] =	stream.indirect.scatter.add.f32 [tilespmem:s12], [sflag:$0x1], $0x10, s4, s30, $0xb8;
	[tilespmem:$0x17340] =	vst v63  }
0x1de: {  	_ = 	snop  }
0x1df: {  	[spmem:s3] =	stream.indirect.scatter.add.f32 [tilespmem:s0], [sflag:$0x1], $0x1, s4, s30, $0xb8;
	[tilespmem:$0x17340] =	vst v63  }
0x1e0: {  	s10 =	simm.s32 $0x16650  }
0x1e1: {  	[spmem:s2] =	stream.indirect.scatter.add.f32 [tilespmem:s13], [sflag:$0x1], $0x10, s10, s30, $0xb8;
	[tilespmem:$0x17340] =	vst v63  }
0x1e2: {  	_ = 	snop  }
0x1e3: {  	[spmem:s3] =	stream.indirect.scatter.add.f32 [tilespmem:s0], [sflag:$0x1], $0x1, s10, s30, $0xb8;
	[tilespmem:$0x17340] =	vst v63  }
0x1e4: {  	s21 =	simm.s32 $0x166A0  }
0x1e5: {  	[spmem:s2] =	stream.indirect.scatter.add.f32 [tilespmem:s15], [sflag:$0x1], $0x10, s21, s30, $0xb8;
	[tilespmem:$0x17340] =	vst v63  }
0x1e6: {  	_ = 	snop  }
0x1e7: {  	[spmem:s3] =	stream.indirect.scatter.add.f32 [tilespmem:s0], [sflag:$0x1], $0x1, s21, s30, $0xb8;
	[tilespmem:$0x17340] =	vst v63  }
0x1e8: {  	s4 =	simm.s32 $0x166F0  }
0x1e9: {  	[spmem:s2] =	stream.indirect.scatter.add.f32 [tilespmem:s17], [sflag:$0x1], $0x10, s4, s30, $0xb8;
	[tilespmem:$0x17340] =	vst v63  }
0x1ea: {  	_ = 	snop  }
0x1eb: {  	[spmem:s3] =	stream.indirect.scatter.add.f32 [tilespmem:s0], [sflag:$0x1], $0x1, s4, s30, $0xb8;
	[tilespmem:$0x17340] =	vst v63  }
0x1ec: {  	s10 =	simm.s32 $0x16740  }
0x1ed: {  	[spmem:s2] =	stream.indirect.scatter.add.f32 [tilespmem:s18], [sflag:$0x1], $0x10, s10, s30, $0xb8;
	[tilespmem:$0x17340] =	vst v63  }
0x1ee: {  	_ = 	snop  }
0x1ef: {  	[spmem:s3] =	stream.indirect.scatter.add.f32 [tilespmem:s0], [sflag:$0x1], $0x1, s10, s30, $0xb8;
	[tilespmem:$0x17340] =	vst v63  }
0x1f0: {  	s17 =	simm.s32 $0x16790  }
0x1f1: {  	[spmem:s2] =	stream.indirect.scatter.add.f32 [tilespmem:s19], [sflag:$0x1], $0x10, s17, s30, $0xb8;
	[tilespmem:$0x17340] =	vst v63  }
0x1f2: {  	_ = 	snop  }
0x1f3: {  	[spmem:s3] =	stream.indirect.scatter.add.f32 [tilespmem:s0], [sflag:$0x1], $0x1, s17, s30, $0xb8;
	[tilespmem:$0x17340] =	vst v63  }
0x1f4: {  	s19 =	simm.s32 $0x167E0  }
0x1f5: {  	[spmem:s2] =	stream.indirect.scatter.add.f32 [tilespmem:s20], [sflag:$0x1], $0x10, s19, s30, $0xb8;
	[tilespmem:$0x17340] =	vst v63  }
0x1f6: {  	_ = 	snop  }
0x1f7: {  	[spmem:s3] =	stream.indirect.scatter.add.f32 [tilespmem:s0], [sflag:$0x1], $0x1, s19, s30, $0xb8;
	[tilespmem:$0x17340] =	vst v63  }
0x1f8: {  	s21 =	simm.s32 $0x16830  }
0x1f9: {  	[spmem:s2] =	stream.indirect.scatter.add.f32 [tilespmem:s22], [sflag:$0x1], $0x10, s21, s30, $0xb8;
	[tilespmem:$0x17340] =	vst v63  }
0x1fa: {  	_ = 	snop  }
0x1fb: {  	[spmem:s3] =	stream.indirect.scatter.add.f32 [tilespmem:s0], [sflag:$0x1], $0x1, s21, s30, $0xb8;
	[tilespmem:$0x17340] =	vst v63  }
0x1fc: {  	s4 =	simm.s32 $0x16880  }
0x1fd: {  	[spmem:s2] =	stream.indirect.scatter.add.f32 [tilespmem:s23], [sflag:$0x1], $0x10, s4, s30, $0xb8;
	[tilespmem:$0x17340] =	vst v63  }
0x1fe: {  	_ = 	snop  }
0x1ff: {  	[spmem:s3] =	stream.indirect.scatter.add.f32 [tilespmem:s0], [sflag:$0x1], $0x1, s4, s30, $0xb8;
	[tilespmem:$0x17340] =	vst v63  }
0x200: {  	s10 =	simm.s32 $0x168D0  }
0x201: {  	[spmem:s2] =	stream.indirect.scatter.add.f32 [tilespmem:s24], [sflag:$0x1], $0x10, s10, s30, $0xb8;
	[tilespmem:$0x17340] =	vst v63  }
0x202: {  	_ = 	snop  }
0x203: {  	[spmem:s3] =	stream.indirect.scatter.add.f32 [tilespmem:s0], [sflag:$0x1], $0x1, s10, s30, $0xb8;
	[tilespmem:$0x17340] =	vst v63  }
0x204: {  	s17 =	simm.s32 $0x16920  }
0x205: {  	[spmem:s2] =	stream.indirect.scatter.add.f32 [tilespmem:s25], [sflag:$0x1], $0x10, s17, s30, $0xb8;
	[tilespmem:$0x17340] =	vst v63  }
0x206: {  	_ = 	snop  }
0x207: {  	[spmem:s3] =	stream.indirect.scatter.add.f32 [tilespmem:s0], [sflag:$0x1], $0x1, s17, s30, $0xb8;
	[tilespmem:$0x17340] =	vst v63  }
0x208: {  	s19 =	simm.s32 $0x16970  }
0x209: {  	[spmem:s2] =	stream.indirect.scatter.add.f32 [tilespmem:s31], [sflag:$0x1], $0x10, s19, s30, $0xb8;
	[tilespmem:$0x17340] =	vst v63  }
0x20a: {  	_ = 	snop  }
0x20b: {  	[spmem:s3] =	stream.indirect.scatter.add.f32 [tilespmem:s0], [sflag:$0x1], $0x1, s19, s30, $0xb8;
	[tilespmem:$0x17340] =	vst v63  }
0x20c: {  	s21 =	simm.s32 $0x169C0  }
0x20d: {  	[spmem:s2] =	stream.indirect.scatter.add.f32 [tilespmem:s8], [sflag:$0x1], $0x10, s21, s30, $0xb8;
	[tilespmem:$0x17340] =	vst v63  }
0x20e: {  	_ = 	snop  }
0x20f: {  	[spmem:s3] =	stream.indirect.scatter.add.f32 [tilespmem:s0], [sflag:$0x1], $0x1, s21, s30, $0xb8;
	[tilespmem:$0x17340] =	vst v63  }
0x210: {  	s23 =	simm.s32 $0x16A10  }
0x211: {  	[spmem:s2] =	stream.indirect.scatter.add.f32 [tilespmem:s7], [sflag:$0x1], $0x10, s23, s30, $0xb8;
	[tilespmem:$0x17340] =	vst v63  }
0x212: {  	_ = 	snop  }
0x213: {  	[spmem:s3] =	stream.indirect.scatter.add.f32 [tilespmem:s0], [sflag:$0x1], $0x1, s23, s30, $0xb8;
	[tilespmem:$0x17340] =	vst v63  }
0x214: {  	s25 =	simm.s32 $0x16A60  }
0x215: {  	[spmem:s2] =	stream.indirect.scatter.add.f32 [tilespmem:s6], [sflag:$0x1], $0x10, s25, s30, $0xb8;
	[tilespmem:$0x17340] =	vst v63  }
0x216: {  	_ = 	snop  }
0x217: {  	[spmem:s3] =	stream.indirect.scatter.add.f32 [tilespmem:s0], [sflag:$0x1], $0x1, s25, s30, $0xb8;
	[tilespmem:$0x17340] =	vst v63  }
0x218: {  	s4 =	simm.s32 $0x16AB0  }
0x219: {  	[spmem:s2] =	stream.indirect.scatter.add.f32 [tilespmem:s5], [sflag:$0x1], $0x10, s4, s30, $0xb8;
	[tilespmem:$0x17340] =	vst v63  }
0x21a: {  	_ = 	snop  }
0x21b: {  	[spmem:s3] =	stream.indirect.scatter.add.f32 [tilespmem:s0], [sflag:$0x1], $0x1, s4, s30, $0xb8;
	[tilespmem:$0x17340] =	vst v63  }
0x21c: {  	s12 =	simm.s32 $0x0;
	s10 =	rddreg [dreg:$0x16]  }
0x21d: {  	[tilespmem:s16], [sflag:$0x2] =	stream.linear.gather [hbm4b:s10+s12], $0x7D00, $0x38;
	[tilespmem:$0x17340] =	vst v63  }
0x21e: {  	_ =	swait.ge [sflag:s28], $0x7D00  }
0x21f: {  	[sflag:s28] =	ssyncset.done $0x0  }
0x220: {  	[sflag:s28] =	ssyncadd.s32 $0xFFFF8300  }
0x221: {  	_ =	swait.ge [sflag:s26], $0x84D0  }
0x222: {  	[sflag:s26] =	ssyncset.done $0x0  }
0x223: {  	s17 =	simm.s32 $0x16B00;
	[sflag:s26] =	ssyncadd.s32 $0xFFFF7B30  }
0x224: {  	[spmem:s2] =	stream.indirect.scatter.add.f32 [tilespmem:s16], [sflag:$0x1], $0x10, s17, s30, $0xb8;
	[tilespmem:$0x17340] =	vst v63  }
0x225: {  	_ = 	snop  }
0x226: {  	[spmem:s3] =	stream.indirect.scatter.add.f32 [tilespmem:s0], [sflag:$0x1], $0x1, s17, s30, $0xb8;
	[tilespmem:$0x17340] =	vst v63  }
0x227: {  	s19 =	simm.s32 $0x16B50;
	s21 =	simm.s32 $0x2F80  }
0x228: {  	[spmem:s2] =	stream.indirect.scatter.add.f32 [tilespmem:s21], [sflag:$0x1], $0x10, s19, s30, $0xb8;
	[tilespmem:$0x17340] =	vst v63  }
0x229: {  	_ = 	snop  }
0x22a: {  	[spmem:s3] =	stream.indirect.scatter.add.f32 [tilespmem:s0], [sflag:$0x1], $0x1, s19, s30, $0xb8;
	[tilespmem:$0x17340] =	vst v63  }
0x22b: {  	s23 =	simm.s32 $0x16BA0;
	s25 =	simm.s32 $0x3480  }
0x22c: {  	[spmem:s2] =	stream.indirect.scatter.add.f32 [tilespmem:s25], [sflag:$0x1], $0x10, s23, s30, $0xb8;
	[tilespmem:$0x17340] =	vst v63  }
0x22d: {  	_ = 	snop  }
0x22e: {  	[spmem:s3] =	stream.indirect.scatter.add.f32 [tilespmem:s0], [sflag:$0x1], $0x1, s23, s30, $0xb8;
	[tilespmem:$0x17340] =	vst v63  }
0x22f: {  	s10 =	simm.s32 $0x16BF0;
	s17 =	simm.s32 $0x3980  }
0x230: {  	[spmem:s2] =	stream.indirect.scatter.add.f32 [tilespmem:s17], [sflag:$0x1], $0x10, s10, s30, $0xb8;
	[tilespmem:$0x17340] =	vst v63  }
0x231: {  	_ = 	snop  }
0x232: {  	[spmem:s3] =	stream.indirect.scatter.add.f32 [tilespmem:s0], [sflag:$0x1], $0x1, s10, s30, $0xb8;
	[tilespmem:$0x17340] =	vst v63  }
0x233: {  	s21 =	simm.s32 $0x3E80;
	s19 =	simm.s32 $0x16C40  }
0x234: {  	[spmem:s2] =	stream.indirect.scatter.add.f32 [tilespmem:s21], [sflag:$0x1], $0x10, s19, s30, $0xb8;
	[tilespmem:$0x17340] =	vst v63  }
0x235: {  	_ = 	snop  }
0x236: {  	[spmem:s3] =	stream.indirect.scatter.add.f32 [tilespmem:s0], [sflag:$0x1], $0x1, s19, s30, $0xb8;
	[tilespmem:$0x17340] =	vst v63  }
0x237: {  	s25 =	simm.s32 $0x4380;
	s23 =	simm.s32 $0x16C90  }
0x238: {  	[spmem:s2] =	stream.indirect.scatter.add.f32 [tilespmem:s25], [sflag:$0x1], $0x10, s23, s30, $0xb8;
	[tilespmem:$0x17340] =	vst v63  }
0x239: {  	_ = 	snop  }
0x23a: {  	[spmem:s3] =	stream.indirect.scatter.add.f32 [tilespmem:s0], [sflag:$0x1], $0x1, s23, s30, $0xb8;
	[tilespmem:$0x17340] =	vst v63  }
0x23b: {  	s17 =	simm.s32 $0x4880;
	s10 =	simm.s32 $0x16CE0  }
0x23c: {  	[spmem:s2] =	stream.indirect.scatter.add.f32 [tilespmem:s17], [sflag:$0x1], $0x10, s10, s30, $0xb8;
	[tilespmem:$0x17340] =	vst v63  }
0x23d: {  	_ = 	snop  }
0x23e: {  	[spmem:s3] =	stream.indirect.scatter.add.f32 [tilespmem:s0], [sflag:$0x1], $0x1, s10, s30, $0xb8;
	[tilespmem:$0x17340] =	vst v63  }
0x23f: {  	s21 =	simm.s32 $0x4D80;
	s19 =	simm.s32 $0x16D30  }
0x240: {  	[spmem:s2] =	stream.indirect.scatter.add.f32 [tilespmem:s21], [sflag:$0x1], $0x10, s19, s30, $0xb8;
	[tilespmem:$0x17340] =	vst v63  }
0x241: {  	_ = 	snop  }
0x242: {  	[spmem:s3] =	stream.indirect.scatter.add.f32 [tilespmem:s0], [sflag:$0x1], $0x1, s19, s30, $0xb8;
	[tilespmem:$0x17340] =	vst v63  }
0x243: {  	s25 =	simm.s32 $0x5280;
	s23 =	simm.s32 $0x16D80  }
0x244: {  	[spmem:s2] =	stream.indirect.scatter.add.f32 [tilespmem:s25], [sflag:$0x1], $0x10, s23, s30, $0xb8;
	[tilespmem:$0x17340] =	vst v63  }
0x245: {  	_ = 	snop  }
0x246: {  	[spmem:s3] =	stream.indirect.scatter.add.f32 [tilespmem:s0], [sflag:$0x1], $0x1, s23, s30, $0xb8;
	[tilespmem:$0x17340] =	vst v63  }
0x247: {  	s17 =	simm.s32 $0x5780;
	s10 =	simm.s32 $0x16DD0  }
0x248: {  	[spmem:s2] =	stream.indirect.scatter.add.f32 [tilespmem:s17], [sflag:$0x1], $0x10, s10, s30, $0xb8;
	[tilespmem:$0x17340] =	vst v63  }
0x249: {  	_ = 	snop  }
0x24a: {  	[spmem:s3] =	stream.indirect.scatter.add.f32 [tilespmem:s0], [sflag:$0x1], $0x1, s10, s30, $0xb8;
	[tilespmem:$0x17340] =	vst v63  }
0x24b: {  	s21 =	simm.s32 $0x5C80;
	s19 =	simm.s32 $0x16E20  }
0x24c: {  	[spmem:s2] =	stream.indirect.scatter.add.f32 [tilespmem:s21], [sflag:$0x1], $0x10, s19, s30, $0xb8;
	[tilespmem:$0x17340] =	vst v63  }
0x24d: {  	_ = 	snop  }
0x24e: {  	[spmem:s3] =	stream.indirect.scatter.add.f32 [tilespmem:s0], [sflag:$0x1], $0x1, s19, s30, $0xb8;
	[tilespmem:$0x17340] =	vst v63  }
0x24f: {  	s25 =	simm.s32 $0x6180;
	s23 =	simm.s32 $0x16E70  }
0x250: {  	[spmem:s2] =	stream.indirect.scatter.add.f32 [tilespmem:s25], [sflag:$0x1], $0x10, s23, s30, $0xb8;
	[tilespmem:$0x17340] =	vst v63  }
0x251: {  	_ = 	snop  }
0x252: {  	[spmem:s3] =	stream.indirect.scatter.add.f32 [tilespmem:s0], [sflag:$0x1], $0x1, s23, s30, $0xb8;
	[tilespmem:$0x17340] =	vst v63  }
0x253: {  	s17 =	simm.s32 $0x6680;
	s10 =	simm.s32 $0x16EC0  }
0x254: {  	[spmem:s2] =	stream.indirect.scatter.add.f32 [tilespmem:s17], [sflag:$0x1], $0x10, s10, s30, $0xb8;
	[tilespmem:$0x17340] =	vst v63  }
0x255: {  	_ = 	snop  }
0x256: {  	[spmem:s3] =	stream.indirect.scatter.add.f32 [tilespmem:s0], [sflag:$0x1], $0x1, s10, s30, $0xb8;
	[tilespmem:$0x17340] =	vst v63  }
0x257: {  	s21 =	simm.s32 $0x6B80;
	s19 =	simm.s32 $0x16F10  }
0x258: {  	[spmem:s2] =	stream.indirect.scatter.add.f32 [tilespmem:s21], [sflag:$0x1], $0x10, s19, s30, $0xb8;
	[tilespmem:$0x17340] =	vst v63  }
0x259: {  	_ = 	snop  }
0x25a: {  	[spmem:s3] =	stream.indirect.scatter.add.f32 [tilespmem:s0], [sflag:$0x1], $0x1, s19, s30, $0xb8;
	[tilespmem:$0x17340] =	vst v63  }
0x25b: {  	s25 =	simm.s32 $0x7080;
	s23 =	simm.s32 $0x16F60  }
0x25c: {  	[spmem:s2] =	stream.indirect.scatter.add.f32 [tilespmem:s25], [sflag:$0x1], $0x10, s23, s30, $0xb8;
	[tilespmem:$0x17340] =	vst v63  }
0x25d: {  	_ = 	snop  }
0x25e: {  	[spmem:s3] =	stream.indirect.scatter.add.f32 [tilespmem:s0], [sflag:$0x1], $0x1, s23, s30, $0xb8;
	[tilespmem:$0x17340] =	vst v63  }
0x25f: {  	s17 =	simm.s32 $0x7580;
	s10 =	simm.s32 $0x16FB0  }
0x260: {  	[spmem:s2] =	stream.indirect.scatter.add.f32 [tilespmem:s17], [sflag:$0x1], $0x10, s10, s30, $0xb8;
	[tilespmem:$0x17340] =	vst v63  }
0x261: {  	_ = 	snop  }
0x262: {  	[spmem:s3] =	stream.indirect.scatter.add.f32 [tilespmem:s0], [sflag:$0x1], $0x1, s10, s30, $0xb8;
	[tilespmem:$0x17340] =	vst v63  }
0x263: {  	s21 =	simm.s32 $0x7A80;
	s19 =	simm.s32 $0x17000  }
0x264: {  	[spmem:s2] =	stream.indirect.scatter.add.f32 [tilespmem:s21], [sflag:$0x1], $0x10, s19, s30, $0xb8;
	[tilespmem:$0x17340] =	vst v63  }
0x265: {  	_ = 	snop  }
0x266: {  	[spmem:s3] =	stream.indirect.scatter.add.f32 [tilespmem:s0], [sflag:$0x1], $0x1, s19, s30, $0xb8;
	[tilespmem:$0x17340] =	vst v63  }
0x267: {  	s25 =	simm.s32 $0x7F80;
	s23 =	simm.s32 $0x17050  }
0x268: {  	[spmem:s2] =	stream.indirect.scatter.add.f32 [tilespmem:s25], [sflag:$0x1], $0x10, s23, s30, $0xb8;
	[tilespmem:$0x17340] =	vst v63  }
0x269: {  	_ = 	snop  }
0x26a: {  	[spmem:s3] =	stream.indirect.scatter.add.f32 [tilespmem:s0], [sflag:$0x1], $0x1, s23, s30, $0xb8;
	[tilespmem:$0x17340] =	vst v63  }
0x26b: {  	s17 =	simm.s32 $0x8480;
	s10 =	simm.s32 $0x170A0  }
0x26c: {  	[spmem:s2] =	stream.indirect.scatter.add.f32 [tilespmem:s17], [sflag:$0x1], $0x10, s10, s30, $0xb8;
	[tilespmem:$0x17340] =	vst v63  }
0x26d: {  	_ = 	snop  }
0x26e: {  	[spmem:s3] =	stream.indirect.scatter.add.f32 [tilespmem:s0], [sflag:$0x1], $0x1, s10, s30, $0xb8;
	[tilespmem:$0x17340] =	vst v63  }
0x26f: {  	s21 =	simm.s32 $0x8980;
	s19 =	simm.s32 $0x170F0  }
0x270: {  	[spmem:s2] =	stream.indirect.scatter.add.f32 [tilespmem:s21], [sflag:$0x1], $0x10, s19, s30, $0xb8;
	[tilespmem:$0x17340] =	vst v63  }
0x271: {  	_ = 	snop  }
0x272: {  	[spmem:s3] =	stream.indirect.scatter.add.f32 [tilespmem:s0], [sflag:$0x1], $0x1, s19, s30, $0xb8;
	[tilespmem:$0x17340] =	vst v63  }
0x273: {  	s25 =	simm.s32 $0x8E80;
	s23 =	simm.s32 $0x17140  }
0x274: {  	[spmem:s2] =	stream.indirect.scatter.add.f32 [tilespmem:s25], [sflag:$0x1], $0x10, s23, s30, $0xb8;
	[tilespmem:$0x17340] =	vst v63  }
0x275: {  	_ = 	snop  }
0x276: {  	[spmem:s3] =	stream.indirect.scatter.add.f32 [tilespmem:s0], [sflag:$0x1], $0x1, s23, s30, $0xb8;
	[tilespmem:$0x17340] =	vst v63  }
0x277: {  	s17 =	simm.s32 $0x9380;
	s10 =	simm.s32 $0x17190  }
0x278: {  	[spmem:s2] =	stream.indirect.scatter.add.f32 [tilespmem:s17], [sflag:$0x1], $0x10, s10, s30, $0xb8;
	[tilespmem:$0x17340] =	vst v63  }
0x279: {  	_ = 	snop  }
0x27a: {  	[spmem:s3] =	stream.indirect.scatter.add.f32 [tilespmem:s0], [sflag:$0x1], $0x1, s10, s30, $0xb8;
	[tilespmem:$0x17340] =	vst v63  }
0x27b: {  	s21 =	simm.s32 $0x9880;
	s19 =	simm.s32 $0x171E0  }
0x27c: {  	[spmem:s2] =	stream.indirect.scatter.add.f32 [tilespmem:s21], [sflag:$0x1], $0x10, s19, s30, $0xb8;
	[tilespmem:$0x17340] =	vst v63  }
0x27d: {  	_ = 	snop  }
0x27e: {  	[spmem:s3] =	stream.indirect.scatter.add.f32 [tilespmem:s0], [sflag:$0x1], $0x1, s19, s30, $0xb8;
	[tilespmem:$0x17340] =	vst v63  }
0x27f: {  	s25 =	simm.s32 $0x9D80;
	s23 =	simm.s32 $0x17230  }
0x280: {  	[spmem:s2] =	stream.indirect.scatter.add.f32 [tilespmem:s25], [sflag:$0x1], $0x10, s23, s30, $0xb8;
	[tilespmem:$0x17340] =	vst v63  }
0x281: {  	_ = 	snop  }
0x282: {  	[spmem:s3] =	stream.indirect.scatter.add.f32 [tilespmem:s0], [sflag:$0x1], $0x1, s23, s30, $0xb8;
	[tilespmem:$0x17340] =	vst v63  }
0x283: {  	s10 =	simm.s32 $0x17280  }
0x284: {  	[spmem:s2] =	stream.indirect.scatter.add.f32 [tilespmem:s9], [sflag:$0x1], $0x10, s10, s30, $0xb8;
	[tilespmem:$0x17340] =	vst v63  }
0x285: {  	_ = 	snop  }
0x286: {  	[spmem:s3] =	stream.indirect.scatter.add.f32 [tilespmem:s0], [sflag:$0x1], $0x1, s10, s30, $0xb8;
	[tilespmem:$0x17340] =	vst v63  }
0x287: {  	_ =	swait.ge [sflag:s26], $0x84D0  }
0x288: {  	[sflag:s26] =	ssyncset.done $0x0  }
0x289: {  	[sflag:s26] =	ssyncadd.s32 $0xFFFF7B30  }
0x28a: {  	[bflag:$0x0] =	sbarrier.arrive $0xFFFF  }
0x28b: {  	s17 =	rddreg [dreg:$0x14]  }
0x28c: {  	s10 =	rddreg [dreg:$0x19]  }
0x28d: {  	s19 =	rddreg [dreg:$0x1a]  }
0x28e: {  	[hbm:s17], [sflag:s10] =	dma.local [spmem:s19], $0x500  }
0x28f: {  	_ =	swait.ge [sflag:s28], $0x500  }
0x290: {  	[sflag:s28] =	ssyncset.done $0x0;
	s21 =	rddreg [dreg:$0x17]  }
0x291: {  	s23 =	rddreg [dreg:$0x1b];
	[sflag:s28] =	ssyncadd.s32 $0xFFFFFB00  }
0x292: {  	[hbm:s21], [sflag:s10] =	dma.local [spmem:s23], $0x50  }
0x293: {  	_ =	swait.ge [sflag:s28], $0x50  }
0x294: {  	s14 =	sadd.s32 $0x1, s14;
	s25 =	rddreg [dreg:$0x18]  }
0x295: {  	p0 =	sne.s32 s14, s25  }
.Ltmp1:
0x296: {  	_ = 	snop;
	(pc) =	sbr.rel @p0 .LBB2_1-.Ltmp1, $3  }
0x297: {  	_ =	sdelay $0x1  }
0x298: {  	[sflag:s28] =	ssyncset.done $0x0  }
0x299: {  	[sflag:s28] =	ssyncadd.s32 $0xFFFFFFB0  }
0x29a: {  	_ =	sfence.sel $0x180000  }
0x29b: {  	[bflag:$0x0] =	sbarrier.arrive $0xFFFF  }
0x29c: {  	_ =	strace $0x90000047  }
0x29d: {  	s0 =	stileid.u32;
	[bflag:$0x2] =	sbarrier.arrive $0xFFFF  }
0x29e: {  	p0 =	sne.s32 s0, $0x0;
	s0 =	rddreg [dreg:$0x4]  }
0x29f: {  	s0 =	sadd.s32 @!p0 $0x100000, s0  }
0x2a0: {  	[sflag:s0] =	ssyncadd.tile.s32 @!p0 $0x1;
	_ =	shalt  }
.Lfunc_end2:
_tile_overlayer_lowered:
.L_overlay_start_2:
0x2a1: {  	(tag) =	ssettag $0x2  }
0x2a2: {  	s0 =	rddreg [dreg:$0x0];
	s2 =	stileid.u32  }
0x2a3: {  	s1 =	rddreg [dreg:$0x1];
	p0 =	sne.s32 s2, $0x0  }
0x2a4: {  	s3 =	rddreg [dreg:$0x2];
	[bflag:$0x3] =	sbarrier.arrive $0xFFFF;
	s2 =	simm.s32 @!p0 $0x1C02  }
0x2a5: {  	[timem:s3], [sflag:s2] =	dma.local @!p0 [hbm:s0], s1  }
0x2a6: {  	s0 =	simm.s32 @!p0 $0x2  }
0x2a7: {  	_ =	swait.ge @!p0 [sflag:s0], s1  }
0x2a8: {  	s1 =	ssub.s32 @!p0 $0x0, s1;
	[sflag:s0] =	ssyncset.done @!p0 $0x0  }
0x2a9: {  	[sflag:s0] =	ssyncadd.s32 @!p0 s1  }
0x2aa: {  	[bflag:$0x3] =	sbarrier.arrive $0xFFFF  }
0x2ab: {  	_ =	shalt  }

</sc_bundles>
